<compile_context>
chip_gen: v7x
topology: tpu7x:2x2x1
jax: 0.10.2.dev20260603
libtpu: 0.0.44.dev20260713+nightly
codegen_flags: <defaults>
</compile_context>

<pallas_src>
import functools

import jax
import jax.numpy as jnp
from jax import lax
from jax.experimental import pallas as pl
from jax.experimental.pallas import tpu as pltpu
from jax.experimental.pallas import tpu_sc as plsc

NUM_PREPEND = 16
CHUNK_ROWS = 32
NBUF = 3


def kernel(x, embed_table):
    B, S, D = x.shape
    SO = S + NUM_PREPEND
    info = plsc.get_sparse_core_info()
    NW = info.num_cores * info.num_subcores
    rows_per_w = (B * S) // NW
    w_per_batch = S // rows_per_w
    nch = rows_per_w // CHUNK_ROWS
    mesh = plsc.VectorSubcoreMesh(core_axis_name="c", subcore_axis_name="s")

    @functools.partial(
        pl.kernel,
        mesh=mesh,
        out_type=jax.ShapeDtypeStruct((B * SO, D), x.dtype),
        scratch_types=[
            pltpu.VMEM((NBUF, CHUNK_ROWS, D), x.dtype),
            pltpu.VMEM((NUM_PREPEND, D), x.dtype),
            pltpu.SemaphoreType.DMA((NBUF,)),
            pltpu.SemaphoreType.DMA((NBUF,)),
            pltpu.SemaphoreType.DMA,
        ],
    )
    def sc_copy(x_hbm, emb_hbm, out_hbm, buf, emb_v, ld, st, es):
        wid = lax.axis_index("s") * info.num_cores + lax.axis_index("c")
        b = wid // w_per_batch
        c = wid % w_per_batch
        src_base = wid * rows_per_w
        dst_base = b * SO + NUM_PREPEND + c * rows_per_w

        loads = []
        stores = []
        for t in range(nch):
            j = t % NBUF
            loads.append(pltpu.make_async_copy(
                x_hbm.at[pl.ds(src_base + t * CHUNK_ROWS, CHUNK_ROWS)],
                buf.at[j], ld.at[j]))
            stores.append(pltpu.make_async_copy(
                buf.at[j],
                out_hbm.at[pl.ds(dst_base + t * CHUNK_ROWS, CHUNK_ROWS)],
                st.at[j]))

        emb_copy = pltpu.make_async_copy(emb_hbm, emb_v, es)
        prefix_copy = pltpu.make_async_copy(
            emb_v, out_hbm.at[pl.ds(wid * SO, NUM_PREPEND)], es)

        @pl.when(wid < B)
        def _():
            emb_copy.start()

        lag = NBUF - 1
        for t in range(nch + lag):
            if t < nch:
                if t >= NBUF:
                    stores[t - NBUF].wait()
                loads[t].start()
            if t == 0:
                @pl.when(wid < B)
                def _():
                    emb_copy.wait()
                    prefix_copy.start()
            k = t - lag
            if 0 <= k < nch:
                loads[k].wait()
                stores[k].start()

        for t in range(nch - NBUF, nch):
            stores[t].wait()

        @pl.when(wid < B)
        def _():
            prefix_copy.wait()

    out = sc_copy(x.reshape(B * S, D), embed_table)
    return out.reshape(B, SO, D)

# --- scband reference (transcript-rebuilt; emitter-appended) ---
"""Pipeline reference for scband-prepend-tokens-32452772889238 (READ-ONLY COPY).

The authoritative reference and input builder live on the scoring server;
editing this copy changes nothing except your own understanding.
"""

import jax, jax.numpy as jnp
import numpy as np

NUM_TOKENS = 16
D_MODEL = 1024

def setup_inputs(seed: int = 0) -> dict:
    key = jax.random.key(seed)
    k_x, k_emb = jax.random.split(key)
    x = jax.random.normal(k_x, (4, 4096, D_MODEL), dtype=jnp.float32)
    # Learned embedding table for the prepended tokens (nn.Embed default init: normal(stddev=1))
    embed_table = jax.random.normal(k_emb, (NUM_TOKENS, D_MODEL), dtype=jnp.float32)
    return {"x": x, "embed_table": embed_table}

def reference(x, embed_table):
    # nn.Embed(num_embeddings, features)(jnp.arange(num_tokens)) -> gather of all rows
    idx = jnp.arange(NUM_TOKENS)
    embedding = jnp.take(embed_table, idx, axis=0)  # [num_tokens, D]
    # broadcast across leading (batch) dims
    tokens = jnp.broadcast_to(embedding, x.shape[:-2] + (NUM_TOKENS, x.shape[-1]))
    return jnp.concatenate([tokens, x], axis=-2)

if __name__ == "__main__":
    import jax
    _d = setup_inputs()
    print(jax.jit(kernel)(*tuple(_d.values())))

</pallas_src>

<mosaic_0001>
#map = affine_map<(d0, d1) -> (0, 0)>
module attributes {stable_mosaic.version = 14 : i64} {
  func.func @sc_copy(%arg0: i32, %arg1: i32, %arg2: memref<16384x1024xf32, #tpu.memory_space<hbm>>, %arg3: memref<16x1024xf32, #tpu.memory_space<hbm>>, %arg4: memref<16448x1024xf32, #tpu.memory_space<hbm>>, %arg5: memref<3x32x1024xf32, #tpu.memory_space<vmem>>, %arg6: memref<16x1024xf32, #tpu.memory_space<vmem>>, %arg7: memref<3x!tpu.dma_semaphore, #tpu.memory_space<semaphore_mem>>, %arg8: memref<3x!tpu.dma_semaphore, #tpu.memory_space<semaphore_mem>>, %arg9: memref<!tpu.dma_semaphore, #tpu.memory_space<semaphore_mem>>) attributes {dimension_semantics = [#tpu.dimension_semantics<core_parallel>, #tpu.dimension_semantics<subcore_parallel>], iteration_bounds = array<i64: 2, 16>, scalar_prefetch = 0 : i64, scratch_operands = 5 : i64, tpu.core_type = #tpu.core_type<sc_vector_subcore>, window_params = [{transform_indices = #map}, {transform_indices = #map}, {transform_indices = #map}]} {
    %mul3A = arith.constant 2 : i32
    %mul3A_0 = arith.muli %arg1, %mul3A : i32
    %add3A = arith.addi %mul3A_0, %arg0 : i32
    %jit3A = arith.constant 8 : i32
    %div3A = arith.divsi %add3A, %jit3A : i32
    %sign3A = arith.constant 0 : i32
    %sign3A_1 = arith.cmpi sgt, %add3A, %sign3A : i32
    %sign3A_2 = arith.extui %sign3A_1 : i1 to i32
    %sign3A_3 = arith.constant 0 : i32
    %sign3A_4 = arith.cmpi slt, %add3A, %sign3A_3 : i32
    %sign3A_5 = arith.extui %sign3A_4 : i1 to i32
    %sign3A_6 = arith.subi %sign3A_2, %sign3A_5 : i32
    %sign3A_7 = arith.constant 0 : i32
    %sign3A_8 = arith.cmpi sgt, %jit3A, %sign3A_7 : i32
    %sign3A_9 = arith.extui %sign3A_8 : i1 to i32
    %sign3A_10 = arith.constant 0 : i32
    %sign3A_11 = arith.cmpi slt, %jit3A, %sign3A_10 : i32
    %sign3A_12 = arith.extui %sign3A_11 : i1 to i32
    %sign3A_13 = arith.subi %sign3A_9, %sign3A_12 : i32
    %ne3A = arith.cmpi ne, %sign3A_6, %sign3A_13 : i32
    %rem3A = arith.remsi %add3A, %jit3A : i32
    %ne3A_14 = arith.constant 0 : i32
    %ne3A_15 = arith.cmpi ne, %rem3A, %ne3A_14 : i32
    %and3A = arith.andi %ne3A, %ne3A_15 : i1
    %sub3A = arith.constant 1 : i32
    %sub3A_16 = arith.subi %div3A, %sub3A : i32
    %select_n3A = arith.select %and3A, %sub3A_16, %div3A : i32
    %jit3A_17 = arith.constant 8 : i32
    %eq3A = arith.constant 0 : i32
    %eq3A_18 = arith.cmpi eq, %jit3A_17, %eq3A : i32
    %jit3A_19 = arith.constant 1 : i32
    %select_n3A_20 = arith.select %eq3A_18, %jit3A_19, %jit3A_17 : i32
    %rem3A_21 = arith.remsi %add3A, %select_n3A_20 : i32
    %ne3A_22 = arith.constant 0 : i32
    %ne3A_23 = arith.cmpi ne, %rem3A_21, %ne3A_22 : i32
    %lt3A = arith.constant 0 : i32
    %lt3A_24 = arith.cmpi slt, %rem3A_21, %lt3A : i32
    %lt3A_25 = arith.constant 0 : i32
    %lt3A_26 = arith.cmpi slt, %select_n3A_20, %lt3A_25 : i32
    %ne3A_27 = arith.xori %lt3A_24, %lt3A_26 : i1
    %and3A_28 = arith.andi %ne3A_27, %ne3A_23 : i1
    %add3A_29 = arith.addi %rem3A_21, %select_n3A_20 : i32
    %select_n3A_30 = arith.select %and3A_28, %add3A_29, %rem3A_21 : i32
    %mul3A_31 = arith.constant 512 : i32
    %mul3A_32 = arith.muli %add3A, %mul3A_31 : i32
    %mul3A_33 = arith.constant 4112 : i32
    %mul3A_34 = arith.muli %select_n3A, %mul3A_33 : i32
    %add3A_35 = arith.constant 16 : i32
    %add3A_36 = arith.addi %mul3A_34, %add3A_35 : i32
    %mul3A_37 = arith.constant 512 : i32
    %mul3A_38 = arith.muli %select_n3A_30, %mul3A_37 : i32
    %add3A_39 = arith.addi %add3A_36, %mul3A_38 : i32
    %add3A_40 = arith.constant 0 : i32
    %add3A_41 = arith.addi %mul3A_32, %add3A_40 : i32
    %add3A_42 = arith.constant 0 : i32
    %add3A_43 = arith.addi %add3A_39, %add3A_42 : i32
    %add3A_44 = arith.constant 32 : i32
    %add3A_45 = arith.addi %mul3A_32, %add3A_44 : i32
    %add3A_46 = arith.constant 32 : i32
    %add3A_47 = arith.addi %add3A_39, %add3A_46 : i32
    %add3A_48 = arith.constant 64 : i32
    %add3A_49 = arith.addi %mul3A_32, %add3A_48 : i32
    %add3A_50 = arith.constant 64 : i32
    %add3A_51 = arith.addi %add3A_39, %add3A_50 : i32
    %add3A_52 = arith.constant 96 : i32
    %add3A_53 = arith.addi %mul3A_32, %add3A_52 : i32
    %add3A_54 = arith.constant 96 : i32
    %add3A_55 = arith.addi %add3A_39, %add3A_54 : i32
    %add3A_56 = arith.constant 128 : i32
    %add3A_57 = arith.addi %mul3A_32, %add3A_56 : i32
    %add3A_58 = arith.constant 128 : i32
    %add3A_59 = arith.addi %add3A_39, %add3A_58 : i32
    %add3A_60 = arith.constant 160 : i32
    %add3A_61 = arith.addi %mul3A_32, %add3A_60 : i32
    %add3A_62 = arith.constant 160 : i32
    %add3A_63 = arith.addi %add3A_39, %add3A_62 : i32
    %add3A_64 = arith.constant 192 : i32
    %add3A_65 = arith.addi %mul3A_32, %add3A_64 : i32
    %add3A_66 = arith.constant 192 : i32
    %add3A_67 = arith.addi %add3A_39, %add3A_66 : i32
    %add3A_68 = arith.constant 224 : i32
    %add3A_69 = arith.addi %mul3A_32, %add3A_68 : i32
    %add3A_70 = arith.constant 224 : i32
    %add3A_71 = arith.addi %add3A_39, %add3A_70 : i32
    %add3A_72 = arith.constant 256 : i32
    %add3A_73 = arith.addi %mul3A_32, %add3A_72 : i32
    %add3A_74 = arith.constant 256 : i32
    %add3A_75 = arith.addi %add3A_39, %add3A_74 : i32
    %add3A_76 = arith.constant 288 : i32
    %add3A_77 = arith.addi %mul3A_32, %add3A_76 : i32
    %add3A_78 = arith.constant 288 : i32
    %add3A_79 = arith.addi %add3A_39, %add3A_78 : i32
    %add3A_80 = arith.constant 320 : i32
    %add3A_81 = arith.addi %mul3A_32, %add3A_80 : i32
    %add3A_82 = arith.constant 320 : i32
    %add3A_83 = arith.addi %add3A_39, %add3A_82 : i32
    %add3A_84 = arith.constant 352 : i32
    %add3A_85 = arith.addi %mul3A_32, %add3A_84 : i32
    %add3A_86 = arith.constant 352 : i32
    %add3A_87 = arith.addi %add3A_39, %add3A_86 : i32
    %add3A_88 = arith.constant 384 : i32
    %add3A_89 = arith.addi %mul3A_32, %add3A_88 : i32
    %add3A_90 = arith.constant 384 : i32
    %add3A_91 = arith.addi %add3A_39, %add3A_90 : i32
    %add3A_92 = arith.constant 416 : i32
    %add3A_93 = arith.addi %mul3A_32, %add3A_92 : i32
    %add3A_94 = arith.constant 416 : i32
    %add3A_95 = arith.addi %add3A_39, %add3A_94 : i32
    %add3A_96 = arith.constant 448 : i32
    %add3A_97 = arith.addi %mul3A_32, %add3A_96 : i32
    %add3A_98 = arith.constant 448 : i32
    %add3A_99 = arith.addi %add3A_39, %add3A_98 : i32
    %add3A_100 = arith.constant 480 : i32
    %add3A_101 = arith.addi %mul3A_32, %add3A_100 : i32
    %add3A_102 = arith.constant 480 : i32
    %add3A_103 = arith.addi %add3A_39, %add3A_102 : i32
    %mul3A_104 = arith.constant 4112 : i32
    %mul3A_105 = arith.muli %add3A, %mul3A_104 : i32
    %lt3A_106 = arith.constant 4 : i32
    %lt3A_107 = arith.cmpi slt, %add3A, %lt3A_106 : i32
    %convert_element_type3A = arith.extui %lt3A_107 : i1 to i32
    %cond3A = arith.constant 0 : i32
    %cond3A_108 = arith.cmpi ne, %convert_element_type3A, %cond3A : i32
    scf.if %cond3A_108 {
      tpu.enqueue_dma source(%arg3 : memref<16x1024xf32, #tpu.memory_space<hbm>>) target(%arg6 : memref<16x1024xf32, #tpu.memory_space<vmem>>) target_semaphore(%arg9 : memref<!tpu.dma_semaphore, #tpu.memory_space<semaphore_mem>>)
    } else {
    }
    %dma_start3A = arith.constant 0 : i32
    %dma_start3A_109 = arith.constant 0 : i32
    %dma_start3A_110 = arith.constant 0 : i32
    %dma_start3A_111 = arith.constant 0 : i32
    %dma_start3A_112 = tpu.memref_slice %arg5[%dma_start3A, %dma_start3A_110, %dma_start3A_111] : memref<3x32x1024xf32, #tpu.memory_space<vmem>> -> memref<1x32x1024xf32, #tpu.memory_space<vmem>>
    %dma_start3A_113 = tpu.memref_squeeze %dma_start3A_112 : memref<1x32x1024xf32, #tpu.memory_space<vmem>> -> memref<32x1024xf32, #tpu.memory_space<vmem>>
    %dma_start3A_114 = arith.constant 0 : i32
    %dma_start3A_115 = tpu.memref_slice %arg2[%add3A_41, %dma_start3A_114] : memref<16384x1024xf32, #tpu.memory_space<hbm>> -> memref<32x1024xf32, #tpu.memory_space<hbm>>
    %dma_start3A_116 = tpu.memref_slice %arg7[%dma_start3A_109] : memref<3x!tpu.dma_semaphore, #tpu.memory_space<semaphore_mem>> -> memref<1x!tpu.dma_semaphore, #tpu.memory_space<semaphore_mem>>
    %dma_start3A_117 = tpu.memref_squeeze %dma_start3A_116 : memref<1x!tpu.dma_semaphore, #tpu.memory_space<semaphore_mem>> -> memref<!tpu.dma_semaphore, #tpu.memory_space<semaphore_mem>>
    %dma_start3A_118 = arith.constant 0 : i32
    %dma_start3A_119 = arith.constant 0 : i32
    %dma_start3A_120 = tpu.memref_slice %arg5[%dma_start3A, %dma_start3A_118, %dma_start3A_119] : memref<3x32x1024xf32, #tpu.memory_space<vmem>> -> memref<1x32x1024xf32, #tpu.memory_space<vmem>>
    %dma_start3A_121 = tpu.memref_squeeze %dma_start3A_120 : memref<1x32x1024xf32, #tpu.memory_space<vmem>> -> memref<32x1024xf32, #tpu.memory_space<vmem>>
    %dma_start3A_122 = arith.constant 0 : i32
    %dma_start3A_123 = tpu.memref_slice %arg2[%add3A_41, %dma_start3A_122] : memref<16384x1024xf32, #tpu.memory_space<hbm>> -> memref<32x1024xf32, #tpu.memory_space<hbm>>
    tpu.enqueue_dma source(%dma_start3A_123 : memref<32x1024xf32, #tpu.memory_space<hbm>>) target(%dma_start3A_121 : memref<32x1024xf32, #tpu.memory_space<vmem>>) target_semaphore(%dma_start3A_117 : memref<!tpu.dma_semaphore, #tpu.memory_space<semaphore_mem>>)
    %lt3A_124 = arith.constant 4 : i32
    %lt3A_125 = arith.cmpi slt, %add3A, %lt3A_124 : i32
    %convert_element_type3A_126 = arith.extui %lt3A_125 : i1 to i32
    %cond3A_127 = arith.constant 0 : i32
    %cond3A_128 = arith.cmpi ne, %convert_element_type3A_126, %cond3A_127 : i32
    scf.if %cond3A_128 {
      tpu.wait_dma2 semaphore(%arg9 : memref<!tpu.dma_semaphore, #tpu.memory_space<semaphore_mem>>) src(%arg3 : memref<16x1024xf32, #tpu.memory_space<hbm>>) dst(%arg6 : memref<16x1024xf32, #tpu.memory_space<vmem>>)
      %dma_start3A_1141 = arith.constant 0 : i32
      %dma_start3A_1142 = tpu.memref_slice %arg4[%mul3A_105, %dma_start3A_1141] : memref<16448x1024xf32, #tpu.memory_space<hbm>> -> memref<16x1024xf32, #tpu.memory_space<hbm>>
      %dma_start3A_1143 = arith.constant 0 : i32
      %dma_start3A_1144 = tpu.memref_slice %arg4[%mul3A_105, %dma_start3A_1143] : memref<16448x1024xf32, #tpu.memory_space<hbm>> -> memref<16x1024xf32, #tpu.memory_space<hbm>>
      tpu.enqueue_dma source(%arg6 : memref<16x1024xf32, #tpu.memory_space<vmem>>) target(%dma_start3A_1144 : memref<16x1024xf32, #tpu.memory_space<hbm>>) target_semaphore(%arg9 : memref<!tpu.dma_semaphore, #tpu.memory_space<semaphore_mem>>)
    } else {
    }
    %dma_start3A_129 = arith.constant 1 : i32
    %dma_start3A_130 = arith.constant 1 : i32
    %dma_start3A_131 = arith.constant 0 : i32
    %dma_start3A_132 = arith.constant 0 : i32
    %dma_start3A_133 = tpu.memref_slice %arg5[%dma_start3A_129, %dma_start3A_131, %dma_start3A_132] : memref<3x32x1024xf32, #tpu.memory_space<vmem>> -> memref<1x32x1024xf32, #tpu.memory_space<vmem>>
    %dma_start3A_134 = tpu.memref_squeeze %dma_start3A_133 : memref<1x32x1024xf32, #tpu.memory_space<vmem>> -> memref<32x1024xf32, #tpu.memory_space<vmem>>
    %dma_start3A_135 = arith.constant 0 : i32
    %dma_start3A_136 = tpu.memref_slice %arg2[%add3A_45, %dma_start3A_135] : memref<16384x1024xf32, #tpu.memory_space<hbm>> -> memref<32x1024xf32, #tpu.memory_space<hbm>>
    %dma_start3A_137 = tpu.memref_slice %arg7[%dma_start3A_130] : memref<3x!tpu.dma_semaphore, #tpu.memory_space<semaphore_mem>> -> memref<1x!tpu.dma_semaphore, #tpu.memory_space<semaphore_mem>>
    %dma_start3A_138 = tpu.memref_squeeze %dma_start3A_137 : memref<1x!tpu.dma_semaphore, #tpu.memory_space<semaphore_mem>> -> memref<!tpu.dma_semaphore, #tpu.memory_space<semaphore_mem>>
    %dma_start3A_139 = arith.constant 0 : i32
    %dma_start3A_140 = arith.constant 0 : i32
    %dma_start3A_141 = tpu.memref_slice %arg5[%dma_start3A_129, %dma_start3A_139, %dma_start3A_140] : memref<3x32x1024xf32, #tpu.memory_space<vmem>> -> memref<1x32x1024xf32, #tpu.memory_space<vmem>>
    %dma_start3A_142 = tpu.memref_squeeze %dma_start3A_141 : memref<1x32x1024xf32, #tpu.memory_space<vmem>> -> memref<32x1024xf32, #tpu.memory_space<vmem>>
    %dma_start3A_143 = arith.constant 0 : i32
    %dma_start3A_144 = tpu.memref_slice %arg2[%add3A_45, %dma_start3A_143] : memref<16384x1024xf32, #tpu.memory_space<hbm>> -> memref<32x1024xf32, #tpu.memory_space<hbm>>
    tpu.enqueue_dma source(%dma_start3A_144 : memref<32x1024xf32, #tpu.memory_space<hbm>>) target(%dma_start3A_142 : memref<32x1024xf32, #tpu.memory_space<vmem>>) target_semaphore(%dma_start3A_138 : memref<!tpu.dma_semaphore, #tpu.memory_space<semaphore_mem>>)
    %dma_start3A_145 = arith.constant 2 : i32
    %dma_start3A_146 = arith.constant 2 : i32
    %dma_start3A_147 = arith.constant 0 : i32
    %dma_start3A_148 = arith.constant 0 : i32
    %dma_start3A_149 = tpu.memref_slice %arg5[%dma_start3A_145, %dma_start3A_147, %dma_start3A_148] : memref<3x32x1024xf32, #tpu.memory_space<vmem>> -> memref<1x32x1024xf32, #tpu.memory_space<vmem>>
    %dma_start3A_150 = tpu.memref_squeeze %dma_start3A_149 : memref<1x32x1024xf32, #tpu.memory_space<vmem>> -> memref<32x1024xf32, #tpu.memory_space<vmem>>
    %dma_start3A_151 = arith.constant 0 : i32
    %dma_start3A_152 = tpu.memref_slice %arg2[%add3A_49, %dma_start3A_151] : memref<16384x1024xf32, #tpu.memory_space<hbm>> -> memref<32x1024xf32, #tpu.memory_space<hbm>>
    %dma_start3A_153 = tpu.memref_slice %arg7[%dma_start3A_146] : memref<3x!tpu.dma_semaphore, #tpu.memory_space<semaphore_mem>> -> memref<1x!tpu.dma_semaphore, #tpu.memory_space<semaphore_mem>>
    %dma_start3A_154 = tpu.memref_squeeze %dma_start3A_153 : memref<1x!tpu.dma_semaphore, #tpu.memory_space<semaphore_mem>> -> memref<!tpu.dma_semaphore, #tpu.memory_space<semaphore_mem>>
    %dma_start3A_155 = arith.constant 0 : i32
    %dma_start3A_156 = arith.constant 0 : i32
    %dma_start3A_157 = tpu.memref_slice %arg5[%dma_start3A_145, %dma_start3A_155, %dma_start3A_156] : memref<3x32x1024xf32, #tpu.memory_space<vmem>> -> memref<1x32x1024xf32, #tpu.memory_space<vmem>>
    %dma_start3A_158 = tpu.memref_squeeze %dma_start3A_157 : memref<1x32x1024xf32, #tpu.memory_space<vmem>> -> memref<32x1024xf32, #tpu.memory_space<vmem>>
    %dma_start3A_159 = arith.constant 0 : i32
    %dma_start3A_160 = tpu.memref_slice %arg2[%add3A_49, %dma_start3A_159] : memref<16384x1024xf32, #tpu.memory_space<hbm>> -> memref<32x1024xf32, #tpu.memory_space<hbm>>
    tpu.enqueue_dma source(%dma_start3A_160 : memref<32x1024xf32, #tpu.memory_space<hbm>>) target(%dma_start3A_158 : memref<32x1024xf32, #tpu.memory_space<vmem>>) target_semaphore(%dma_start3A_154 : memref<!tpu.dma_semaphore, #tpu.memory_space<semaphore_mem>>)
    %dma_wait3A = arith.constant 0 : i32
    %dma_wait3A_161 = arith.constant 0 : i32
    %dma_wait3A_162 = arith.constant 0 : i32
    %dma_wait3A_163 = arith.constant 0 : i32
    %dma_wait3A_164 = tpu.memref_slice %arg5[%dma_wait3A, %dma_wait3A_162, %dma_wait3A_163] : memref<3x32x1024xf32, #tpu.memory_space<vmem>> -> memref<1x32x1024xf32, #tpu.memory_space<vmem>>
    %dma_wait3A_165 = tpu.memref_squeeze %dma_wait3A_164 : memref<1x32x1024xf32, #tpu.memory_space<vmem>> -> memref<32x1024xf32, #tpu.memory_space<vmem>>
    %dma_wait3A_166 = arith.constant 0 : i32
    %dma_wait3A_167 = tpu.memref_slice %arg2[%add3A_41, %dma_wait3A_166] : memref<16384x1024xf32, #tpu.memory_space<hbm>> -> memref<32x1024xf32, #tpu.memory_space<hbm>>
    %dma_wait3A_168 = tpu.memref_slice %arg7[%dma_wait3A_161] : memref<3x!tpu.dma_semaphore, #tpu.memory_space<semaphore_mem>> -> memref<1x!tpu.dma_semaphore, #tpu.memory_space<semaphore_mem>>
    %dma_wait3A_169 = tpu.memref_squeeze %dma_wait3A_168 : memref<1x!tpu.dma_semaphore, #tpu.memory_space<semaphore_mem>> -> memref<!tpu.dma_semaphore, #tpu.memory_space<semaphore_mem>>
    %dma_wait3A_170 = arith.constant 0 : i32
    %dma_wait3A_171 = arith.constant 0 : i32
    %dma_wait3A_172 = tpu.memref_slice %arg5[%dma_wait3A, %dma_wait3A_170, %dma_wait3A_171] : memref<3x32x1024xf32, #tpu.memory_space<vmem>> -> memref<1x32x1024xf32, #tpu.memory_space<vmem>>
    %dma_wait3A_173 = tpu.memref_squeeze %dma_wait3A_172 : memref<1x32x1024xf32, #tpu.memory_space<vmem>> -> memref<32x1024xf32, #tpu.memory_space<vmem>>
    %dma_wait3A_174 = arith.constant 0 : i32
    %dma_wait3A_175 = tpu.memref_slice %arg2[%add3A_41, %dma_wait3A_174] : memref<16384x1024xf32, #tpu.memory_space<hbm>> -> memref<32x1024xf32, #tpu.memory_space<hbm>>
    tpu.wait_dma2 semaphore(%dma_wait3A_169 : memref<!tpu.dma_semaphore, #tpu.memory_space<semaphore_mem>>) src(%dma_wait3A_175 : memref<32x1024xf32, #tpu.memory_space<hbm>>) dst(%dma_wait3A_173 : memref<32x1024xf32, #tpu.memory_space<vmem>>)
    %dma_start3A_176 = arith.constant 0 : i32
    %dma_start3A_177 = arith.constant 0 : i32
    %dma_start3A_178 = arith.constant 0 : i32
    %dma_start3A_179 = arith.constant 0 : i32
    %dma_start3A_180 = tpu.memref_slice %arg5[%dma_start3A_176, %dma_start3A_178, %dma_start3A_179] : memref<3x32x1024xf32, #tpu.memory_space<vmem>> -> memref<1x32x1024xf32, #tpu.memory_space<vmem>>
    %dma_start3A_181 = tpu.memref_squeeze %dma_start3A_180 : memref<1x32x1024xf32, #tpu.memory_space<vmem>> -> memref<32x1024xf32, #tpu.memory_space<vmem>>
    %dma_start3A_182 = arith.constant 0 : i32
    %dma_start3A_183 = tpu.memref_slice %arg4[%add3A_43, %dma_start3A_182] : memref<16448x1024xf32, #tpu.memory_space<hbm>> -> memref<32x1024xf32, #tpu.memory_space<hbm>>
    %dma_start3A_184 = tpu.memref_slice %arg8[%dma_start3A_177] : memref<3x!tpu.dma_semaphore, #tpu.memory_space<semaphore_mem>> -> memref<1x!tpu.dma_semaphore, #tpu.memory_space<semaphore_mem>>
    %dma_start3A_185 = tpu.memref_squeeze %dma_start3A_184 : memref<1x!tpu.dma_semaphore, #tpu.memory_space<semaphore_mem>> -> memref<!tpu.dma_semaphore, #tpu.memory_space<semaphore_mem>>
    %dma_start3A_186 = arith.constant 0 : i32
    %dma_start3A_187 = tpu.memref_slice %arg4[%add3A_43, %dma_start3A_186] : memref<16448x1024xf32, #tpu.memory_space<hbm>> -> memref<32x1024xf32, #tpu.memory_space<hbm>>
    %dma_start3A_188 = arith.constant 0 : i32
    %dma_start3A_189 = arith.constant 0 : i32
    %dma_start3A_190 = tpu.memref_slice %arg5[%dma_start3A_176, %dma_start3A_188, %dma_start3A_189] : memref<3x32x1024xf32, #tpu.memory_space<vmem>> -> memref<1x32x1024xf32, #tpu.memory_space<vmem>>
    %dma_start3A_191 = tpu.memref_squeeze %dma_start3A_190 : memref<1x32x1024xf32, #tpu.memory_space<vmem>> -> memref<32x1024xf32, #tpu.memory_space<vmem>>
    tpu.enqueue_dma source(%dma_start3A_191 : memref<32x1024xf32, #tpu.memory_space<vmem>>) target(%dma_start3A_187 : memref<32x1024xf32, #tpu.memory_space<hbm>>) target_semaphore(%dma_start3A_185 : memref<!tpu.dma_semaphore, #tpu.memory_space<semaphore_mem>>)
    %dma_wait3A_192 = arith.constant 0 : i32
    %dma_wait3A_193 = arith.constant 0 : i32
    %dma_wait3A_194 = arith.constant 0 : i32
    %dma_wait3A_195 = arith.constant 0 : i32
    %dma_wait3A_196 = tpu.memref_slice %arg5[%dma_wait3A_192, %dma_wait3A_194, %dma_wait3A_195] : memref<3x32x1024xf32, #tpu.memory_space<vmem>> -> memref<1x32x1024xf32, #tpu.memory_space<vmem>>
    %dma_wait3A_197 = tpu.memref_squeeze %dma_wait3A_196 : memref<1x32x1024xf32, #tpu.memory_space<vmem>> -> memref<32x1024xf32, #tpu.memory_space<vmem>>
    %dma_wait3A_198 = arith.constant 0 : i32
    %dma_wait3A_199 = tpu.memref_slice %arg4[%add3A_43, %dma_wait3A_198] : memref<16448x1024xf32, #tpu.memory_space<hbm>> -> memref<32x1024xf32, #tpu.memory_space<hbm>>
    %dma_wait3A_200 = tpu.memref_slice %arg8[%dma_wait3A_193] : memref<3x!tpu.dma_semaphore, #tpu.memory_space<semaphore_mem>> -> memref<1x!tpu.dma_semaphore, #tpu.memory_space<semaphore_mem>>
    %dma_wait3A_201 = tpu.memref_squeeze %dma_wait3A_200 : memref<1x!tpu.dma_semaphore, #tpu.memory_space<semaphore_mem>> -> memref<!tpu.dma_semaphore, #tpu.memory_space<semaphore_mem>>
    %dma_wait3A_202 = arith.constant 0 : i32
    %dma_wait3A_203 = tpu.memref_slice %arg4[%add3A_43, %dma_wait3A_202] : memref<16448x1024xf32, #tpu.memory_space<hbm>> -> memref<32x1024xf32, #tpu.memory_space<hbm>>
    %dma_wait3A_204 = arith.constant 0 : i32
    %dma_wait3A_205 = arith.constant 0 : i32
    %dma_wait3A_206 = tpu.memref_slice %arg5[%dma_wait3A_192, %dma_wait3A_204, %dma_wait3A_205] : memref<3x32x1024xf32, #tpu.memory_space<vmem>> -> memref<1x32x1024xf32, #tpu.memory_space<vmem>>
    %dma_wait3A_207 = tpu.memref_squeeze %dma_wait3A_206 : memref<1x32x1024xf32, #tpu.memory_space<vmem>> -> memref<32x1024xf32, #tpu.memory_space<vmem>>
    tpu.wait_dma2 semaphore(%dma_wait3A_201 : memref<!tpu.dma_semaphore, #tpu.memory_space<semaphore_mem>>) src(%dma_wait3A_207 : memref<32x1024xf32, #tpu.memory_space<vmem>>) dst(%dma_wait3A_203 : memref<32x1024xf32, #tpu.memory_space<hbm>>)
    %dma_start3A_208 = arith.constant 0 : i32
    %dma_start3A_209 = arith.constant 0 : i32
    %dma_start3A_210 = arith.constant 0 : i32
    %dma_start3A_211 = arith.constant 0 : i32
    %dma_start3A_212 = tpu.memref_slice %arg5[%dma_start3A_208, %dma_start3A_210, %dma_start3A_211] : memref<3x32x1024xf32, #tpu.memory_space<vmem>> -> memref<1x32x1024xf32, #tpu.memory_space<vmem>>
    %dma_start3A_213 = tpu.memref_squeeze %dma_start3A_212 : memref<1x32x1024xf32, #tpu.memory_space<vmem>> -> memref<32x1024xf32, #tpu.memory_space<vmem>>
    %dma_start3A_214 = arith.constant 0 : i32
    %dma_start3A_215 = tpu.memref_slice %arg2[%add3A_53, %dma_start3A_214] : memref<16384x1024xf32, #tpu.memory_space<hbm>> -> memref<32x1024xf32, #tpu.memory_space<hbm>>
    %dma_start3A_216 = tpu.memref_slice %arg7[%dma_start3A_209] : memref<3x!tpu.dma_semaphore, #tpu.memory_space<semaphore_mem>> -> memref<1x!tpu.dma_semaphore, #tpu.memory_space<semaphore_mem>>
    %dma_start3A_217 = tpu.memref_squeeze %dma_start3A_216 : memref<1x!tpu.dma_semaphore, #tpu.memory_space<semaphore_mem>> -> memref<!tpu.dma_semaphore, #tpu.memory_space<semaphore_mem>>
    %dma_start3A_218 = arith.constant 0 : i32
    %dma_start3A_219 = arith.constant 0 : i32
    %dma_start3A_220 = tpu.memref_slice %arg5[%dma_start3A_208, %dma_start3A_218, %dma_start3A_219] : memref<3x32x1024xf32, #tpu.memory_space<vmem>> -> memref<1x32x1024xf32, #tpu.memory_space<vmem>>
    %dma_start3A_221 = tpu.memref_squeeze %dma_start3A_220 : memref<1x32x1024xf32, #tpu.memory_space<vmem>> -> memref<32x1024xf32, #tpu.memory_space<vmem>>
    %dma_start3A_222 = arith.constant 0 : i32
    %dma_start3A_223 = tpu.memref_slice %arg2[%add3A_53, %dma_start3A_222] : memref<16384x1024xf32, #tpu.memory_space<hbm>> -> memref<32x1024xf32, #tpu.memory_space<hbm>>
    tpu.enqueue_dma source(%dma_start3A_223 : memref<32x1024xf32, #tpu.memory_space<hbm>>) target(%dma_start3A_221 : memref<32x1024xf32, #tpu.memory_space<vmem>>) target_semaphore(%dma_start3A_217 : memref<!tpu.dma_semaphore, #tpu.memory_space<semaphore_mem>>)
    %dma_wait3A_224 = arith.constant 1 : i32
    %dma_wait3A_225 = arith.constant 1 : i32
    %dma_wait3A_226 = arith.constant 0 : i32
    %dma_wait3A_227 = arith.constant 0 : i32
    %dma_wait3A_228 = tpu.memref_slice %arg5[%dma_wait3A_224, %dma_wait3A_226, %dma_wait3A_227] : memref<3x32x1024xf32, #tpu.memory_space<vmem>> -> memref<1x32x1024xf32, #tpu.memory_space<vmem>>
    %dma_wait3A_229 = tpu.memref_squeeze %dma_wait3A_228 : memref<1x32x1024xf32, #tpu.memory_space<vmem>> -> memref<32x1024xf32, #tpu.memory_space<vmem>>
    %dma_wait3A_230 = arith.constant 0 : i32
    %dma_wait3A_231 = tpu.memref_slice %arg2[%add3A_45, %dma_wait3A_230] : memref<16384x1024xf32, #tpu.memory_space<hbm>> -> memref<32x1024xf32, #tpu.memory_space<hbm>>
    %dma_wait3A_232 = tpu.memref_slice %arg7[%dma_wait3A_225] : memref<3x!tpu.dma_semaphore, #tpu.memory_space<semaphore_mem>> -> memref<1x!tpu.dma_semaphore, #tpu.memory_space<semaphore_mem>>
    %dma_wait3A_233 = tpu.memref_squeeze %dma_wait3A_232 : memref<1x!tpu.dma_semaphore, #tpu.memory_space<semaphore_mem>> -> memref<!tpu.dma_semaphore, #tpu.memory_space<semaphore_mem>>
    %dma_wait3A_234 = arith.constant 0 : i32
    %dma_wait3A_235 = arith.constant 0 : i32
    %dma_wait3A_236 = tpu.memref_slice %arg5[%dma_wait3A_224, %dma_wait3A_234, %dma_wait3A_235] : memref<3x32x1024xf32, #tpu.memory_space<vmem>> -> memref<1x32x1024xf32, #tpu.memory_space<vmem>>
    %dma_wait3A_237 = tpu.memref_squeeze %dma_wait3A_236 : memref<1x32x1024xf32, #tpu.memory_space<vmem>> -> memref<32x1024xf32, #tpu.memory_space<vmem>>
    %dma_wait3A_238 = arith.constant 0 : i32
    %dma_wait3A_239 = tpu.memref_slice %arg2[%add3A_45, %dma_wait3A_238] : memref<16384x1024xf32, #tpu.memory_space<hbm>> -> memref<32x1024xf32, #tpu.memory_space<hbm>>
    tpu.wait_dma2 semaphore(%dma_wait3A_233 : memref<!tpu.dma_semaphore, #tpu.memory_space<semaphore_mem>>) src(%dma_wait3A_239 : memref<32x1024xf32, #tpu.memory_space<hbm>>) dst(%dma_wait3A_237 : memref<32x1024xf32, #tpu.memory_space<vmem>>)
    %dma_start3A_240 = arith.constant 1 : i32
    %dma_start3A_241 = arith.constant 1 : i32
    %dma_start3A_242 = arith.constant 0 : i32
    %dma_start3A_243 = arith.constant 0 : i32
    %dma_start3A_244 = tpu.memref_slice %arg5[%dma_start3A_240, %dma_start3A_242, %dma_start3A_243] : memref<3x32x1024xf32, #tpu.memory_space<vmem>> -> memref<1x32x1024xf32, #tpu.memory_space<vmem>>
    %dma_start3A_245 = tpu.memref_squeeze %dma_start3A_244 : memref<1x32x1024xf32, #tpu.memory_space<vmem>> -> memref<32x1024xf32, #tpu.memory_space<vmem>>
    %dma_start3A_246 = arith.constant 0 : i32
    %dma_start3A_247 = tpu.memref_slice %arg4[%add3A_47, %dma_start3A_246] : memref<16448x1024xf32, #tpu.memory_space<hbm>> -> memref<32x1024xf32, #tpu.memory_space<hbm>>
    %dma_start3A_248 = tpu.memref_slice %arg8[%dma_start3A_241] : memref<3x!tpu.dma_semaphore, #tpu.memory_space<semaphore_mem>> -> memref<1x!tpu.dma_semaphore, #tpu.memory_space<semaphore_mem>>
    %dma_start3A_249 = tpu.memref_squeeze %dma_start3A_248 : memref<1x!tpu.dma_semaphore, #tpu.memory_space<semaphore_mem>> -> memref<!tpu.dma_semaphore, #tpu.memory_space<semaphore_mem>>
    %dma_start3A_250 = arith.constant 0 : i32
    %dma_start3A_251 = tpu.memref_slice %arg4[%add3A_47, %dma_start3A_250] : memref<16448x1024xf32, #tpu.memory_space<hbm>> -> memref<32x1024xf32, #tpu.memory_space<hbm>>
    %dma_start3A_252 = arith.constant 0 : i32
    %dma_start3A_253 = arith.constant 0 : i32
    %dma_start3A_254 = tpu.memref_slice %arg5[%dma_start3A_240, %dma_start3A_252, %dma_start3A_253] : memref<3x32x1024xf32, #tpu.memory_space<vmem>> -> memref<1x32x1024xf32, #tpu.memory_space<vmem>>
    %dma_start3A_255 = tpu.memref_squeeze %dma_start3A_254 : memref<1x32x1024xf32, #tpu.memory_space<vmem>> -> memref<32x1024xf32, #tpu.memory_space<vmem>>
    tpu.enqueue_dma source(%dma_start3A_255 : memref<32x1024xf32, #tpu.memory_space<vmem>>) target(%dma_start3A_251 : memref<32x1024xf32, #tpu.memory_space<hbm>>) target_semaphore(%dma_start3A_249 : memref<!tpu.dma_semaphore, #tpu.memory_space<semaphore_mem>>)
    %dma_wait3A_256 = arith.constant 1 : i32
    %dma_wait3A_257 = arith.constant 1 : i32
    %dma_wait3A_258 = arith.constant 0 : i32
    %dma_wait3A_259 = arith.constant 0 : i32
    %dma_wait3A_260 = tpu.memref_slice %arg5[%dma_wait3A_256, %dma_wait3A_258, %dma_wait3A_259] : memref<3x32x1024xf32, #tpu.memory_space<vmem>> -> memref<1x32x1024xf32, #tpu.memory_space<vmem>>
    %dma_wait3A_261 = tpu.memref_squeeze %dma_wait3A_260 : memref<1x32x1024xf32, #tpu.memory_space<vmem>> -> memref<32x1024xf32, #tpu.memory_space<vmem>>
    %dma_wait3A_262 = arith.constant 0 : i32
    %dma_wait3A_263 = tpu.memref_slice %arg4[%add3A_47, %dma_wait3A_262] : memref<16448x1024xf32, #tpu.memory_space<hbm>> -> memref<32x1024xf32, #tpu.memory_space<hbm>>
    %dma_wait3A_264 = tpu.memref_slice %arg8[%dma_wait3A_257] : memref<3x!tpu.dma_semaphore, #tpu.memory_space<semaphore_mem>> -> memref<1x!tpu.dma_semaphore, #tpu.memory_space<semaphore_mem>>
    %dma_wait3A_265 = tpu.memref_squeeze %dma_wait3A_264 : memref<1x!tpu.dma_semaphore, #tpu.memory_space<semaphore_mem>> -> memref<!tpu.dma_semaphore, #tpu.memory_space<semaphore_mem>>
    %dma_wait3A_266 = arith.constant 0 : i32
    %dma_wait3A_267 = tpu.memref_slice %arg4[%add3A_47, %dma_wait3A_266] : memref<16448x1024xf32, #tpu.memory_space<hbm>> -> memref<32x1024xf32, #tpu.memory_space<hbm>>
    %dma_wait3A_268 = arith.constant 0 : i32
    %dma_wait3A_269 = arith.constant 0 : i32
    %dma_wait3A_270 = tpu.memref_slice %arg5[%dma_wait3A_256, %dma_wait3A_268, %dma_wait3A_269] : memref<3x32x1024xf32, #tpu.memory_space<vmem>> -> memref<1x32x1024xf32, #tpu.memory_space<vmem>>
    %dma_wait3A_271 = tpu.memref_squeeze %dma_wait3A_270 : memref<1x32x1024xf32, #tpu.memory_space<vmem>> -> memref<32x1024xf32, #tpu.memory_space<vmem>>
    tpu.wait_dma2 semaphore(%dma_wait3A_265 : memref<!tpu.dma_semaphore, #tpu.memory_space<semaphore_mem>>) src(%dma_wait3A_271 : memref<32x1024xf32, #tpu.memory_space<vmem>>) dst(%dma_wait3A_267 : memref<32x1024xf32, #tpu.memory_space<hbm>>)
    %dma_start3A_272 = arith.constant 1 : i32
    %dma_start3A_273 = arith.constant 1 : i32
    %dma_start3A_274 = arith.constant 0 : i32
    %dma_start3A_275 = arith.constant 0 : i32
    %dma_start3A_276 = tpu.memref_slice %arg5[%dma_start3A_272, %dma_start3A_274, %dma_start3A_275] : memref<3x32x1024xf32, #tpu.memory_space<vmem>> -> memref<1x32x1024xf32, #tpu.memory_space<vmem>>
    %dma_start3A_277 = tpu.memref_squeeze %dma_start3A_276 : memref<1x32x1024xf32, #tpu.memory_space<vmem>> -> memref<32x1024xf32, #tpu.memory_space<vmem>>
    %dma_start3A_278 = arith.constant 0 : i32
    %dma_start3A_279 = tpu.memref_slice %arg2[%add3A_57, %dma_start3A_278] : memref<16384x1024xf32, #tpu.memory_space<hbm>> -> memref<32x1024xf32, #tpu.memory_space<hbm>>
    %dma_start3A_280 = tpu.memref_slice %arg7[%dma_start3A_273] : memref<3x!tpu.dma_semaphore, #tpu.memory_space<semaphore_mem>> -> memref<1x!tpu.dma_semaphore, #tpu.memory_space<semaphore_mem>>
    %dma_start3A_281 = tpu.memref_squeeze %dma_start3A_280 : memref<1x!tpu.dma_semaphore, #tpu.memory_space<semaphore_mem>> -> memref<!tpu.dma_semaphore, #tpu.memory_space<semaphore_mem>>
    %dma_start3A_282 = arith.constant 0 : i32
    %dma_start3A_283 = arith.constant 0 : i32
    %dma_start3A_284 = tpu.memref_slice %arg5[%dma_start3A_272, %dma_start3A_282, %dma_start3A_283] : memref<3x32x1024xf32, #tpu.memory_space<vmem>> -> memref<1x32x1024xf32, #tpu.memory_space<vmem>>
    %dma_start3A_285 = tpu.memref_squeeze %dma_start3A_284 : memref<1x32x1024xf32, #tpu.memory_space<vmem>> -> memref<32x1024xf32, #tpu.memory_space<vmem>>
    %dma_start3A_286 = arith.constant 0 : i32
    %dma_start3A_287 = tpu.memref_slice %arg2[%add3A_57, %dma_start3A_286] : memref<16384x1024xf32, #tpu.memory_space<hbm>> -> memref<32x1024xf32, #tpu.memory_space<hbm>>
    tpu.enqueue_dma source(%dma_start3A_287 : memref<32x1024xf32, #tpu.memory_space<hbm>>) target(%dma_start3A_285 : memref<32x1024xf32, #tpu.memory_space<vmem>>) target_semaphore(%dma_start3A_281 : memref<!tpu.dma_semaphore, #tpu.memory_space<semaphore_mem>>)
    %dma_wait3A_288 = arith.constant 2 : i32
    %dma_wait3A_289 = arith.constant 2 : i32
    %dma_wait3A_290 = arith.constant 0 : i32
    %dma_wait3A_291 = arith.constant 0 : i32
    %dma_wait3A_292 = tpu.memref_slice %arg5[%dma_wait3A_288, %dma_wait3A_290, %dma_wait3A_291] : memref<3x32x1024xf32, #tpu.memory_space<vmem>> -> memref<1x32x1024xf32, #tpu.memory_space<vmem>>
    %dma_wait3A_293 = tpu.memref_squeeze %dma_wait3A_292 : memref<1x32x1024xf32, #tpu.memory_space<vmem>> -> memref<32x1024xf32, #tpu.memory_space<vmem>>
    %dma_wait3A_294 = arith.constant 0 : i32
    %dma_wait3A_295 = tpu.memref_slice %arg2[%add3A_49, %dma_wait3A_294] : memref<16384x1024xf32, #tpu.memory_space<hbm>> -> memref<32x1024xf32, #tpu.memory_space<hbm>>
    %dma_wait3A_296 = tpu.memref_slice %arg7[%dma_wait3A_289] : memref<3x!tpu.dma_semaphore, #tpu.memory_space<semaphore_mem>> -> memref<1x!tpu.dma_semaphore, #tpu.memory_space<semaphore_mem>>
    %dma_wait3A_297 = tpu.memref_squeeze %dma_wait3A_296 : memref<1x!tpu.dma_semaphore, #tpu.memory_space<semaphore_mem>> -> memref<!tpu.dma_semaphore, #tpu.memory_space<semaphore_mem>>
    %dma_wait3A_298 = arith.constant 0 : i32
    %dma_wait3A_299 = arith.constant 0 : i32
    %dma_wait3A_300 = tpu.memref_slice %arg5[%dma_wait3A_288, %dma_wait3A_298, %dma_wait3A_299] : memref<3x32x1024xf32, #tpu.memory_space<vmem>> -> memref<1x32x1024xf32, #tpu.memory_space<vmem>>
    %dma_wait3A_301 = tpu.memref_squeeze %dma_wait3A_300 : memref<1x32x1024xf32, #tpu.memory_space<vmem>> -> memref<32x1024xf32, #tpu.memory_space<vmem>>
    %dma_wait3A_302 = arith.constant 0 : i32
    %dma_wait3A_303 = tpu.memref_slice %arg2[%add3A_49, %dma_wait3A_302] : memref<16384x1024xf32, #tpu.memory_space<hbm>> -> memref<32x1024xf32, #tpu.memory_space<hbm>>
    tpu.wait_dma2 semaphore(%dma_wait3A_297 : memref<!tpu.dma_semaphore, #tpu.memory_space<semaphore_mem>>) src(%dma_wait3A_303 : memref<32x1024xf32, #tpu.memory_space<hbm>>) dst(%dma_wait3A_301 : memref<32x1024xf32, #tpu.memory_space<vmem>>)
    %dma_start3A_304 = arith.constant 2 : i32
    %dma_start3A_305 = arith.constant 2 : i32
    %dma_start3A_306 = arith.constant 0 : i32
    %dma_start3A_307 = arith.constant 0 : i32
    %dma_start3A_308 = tpu.memref_slice %arg5[%dma_start3A_304, %dma_start3A_306, %dma_start3A_307] : memref<3x32x1024xf32, #tpu.memory_space<vmem>> -> memref<1x32x1024xf32, #tpu.memory_space<vmem>>
    %dma_start3A_309 = tpu.memref_squeeze %dma_start3A_308 : memref<1x32x1024xf32, #tpu.memory_space<vmem>> -> memref<32x1024xf32, #tpu.memory_space<vmem>>
    %dma_start3A_310 = arith.constant 0 : i32
    %dma_start3A_311 = tpu.memref_slice %arg4[%add3A_51, %dma_start3A_310] : memref<16448x1024xf32, #tpu.memory_space<hbm>> -> memref<32x1024xf32, #tpu.memory_space<hbm>>
    %dma_start3A_312 = tpu.memref_slice %arg8[%dma_start3A_305] : memref<3x!tpu.dma_semaphore, #tpu.memory_space<semaphore_mem>> -> memref<1x!tpu.dma_semaphore, #tpu.memory_space<semaphore_mem>>
    %dma_start3A_313 = tpu.memref_squeeze %dma_start3A_312 : memref<1x!tpu.dma_semaphore, #tpu.memory_space<semaphore_mem>> -> memref<!tpu.dma_semaphore, #tpu.memory_space<semaphore_mem>>
    %dma_start3A_314 = arith.constant 0 : i32
    %dma_start3A_315 = tpu.memref_slice %arg4[%add3A_51, %dma_start3A_314] : memref<16448x1024xf32, #tpu.memory_space<hbm>> -> memref<32x1024xf32, #tpu.memory_space<hbm>>
    %dma_start3A_316 = arith.constant 0 : i32
    %dma_start3A_317 = arith.constant 0 : i32
    %dma_start3A_318 = tpu.memref_slice %arg5[%dma_start3A_304, %dma_start3A_316, %dma_start3A_317] : memref<3x32x1024xf32, #tpu.memory_space<vmem>> -> memref<1x32x1024xf32, #tpu.memory_space<vmem>>
    %dma_start3A_319 = tpu.memref_squeeze %dma_start3A_318 : memref<1x32x1024xf32, #tpu.memory_space<vmem>> -> memref<32x1024xf32, #tpu.memory_space<vmem>>
    tpu.enqueue_dma source(%dma_start3A_319 : memref<32x1024xf32, #tpu.memory_space<vmem>>) target(%dma_start3A_315 : memref<32x1024xf32, #tpu.memory_space<hbm>>) target_semaphore(%dma_start3A_313 : memref<!tpu.dma_semaphore, #tpu.memory_space<semaphore_mem>>)
    %dma_wait3A_320 = arith.constant 2 : i32
    %dma_wait3A_321 = arith.constant 2 : i32
    %dma_wait3A_322 = arith.constant 0 : i32
    %dma_wait3A_323 = arith.constant 0 : i32
    %dma_wait3A_324 = tpu.memref_slice %arg5[%dma_wait3A_320, %dma_wait3A_322, %dma_wait3A_323] : memref<3x32x1024xf32, #tpu.memory_space<vmem>> -> memref<1x32x1024xf32, #tpu.memory_space<vmem>>
    %dma_wait3A_325 = tpu.memref_squeeze %dma_wait3A_324 : memref<1x32x1024xf32, #tpu.memory_space<vmem>> -> memref<32x1024xf32, #tpu.memory_space<vmem>>
    %dma_wait3A_326 = arith.constant 0 : i32
    %dma_wait3A_327 = tpu.memref_slice %arg4[%add3A_51, %dma_wait3A_326] : memref<16448x1024xf32, #tpu.memory_space<hbm>> -> memref<32x1024xf32, #tpu.memory_space<hbm>>
    %dma_wait3A_328 = tpu.memref_slice %arg8[%dma_wait3A_321] : memref<3x!tpu.dma_semaphore, #tpu.memory_space<semaphore_mem>> -> memref<1x!tpu.dma_semaphore, #tpu.memory_space<semaphore_mem>>
    %dma_wait3A_329 = tpu.memref_squeeze %dma_wait3A_328 : memref<1x!tpu.dma_semaphore, #tpu.memory_space<semaphore_mem>> -> memref<!tpu.dma_semaphore, #tpu.memory_space<semaphore_mem>>
    %dma_wait3A_330 = arith.constant 0 : i32
    %dma_wait3A_331 = tpu.memref_slice %arg4[%add3A_51, %dma_wait3A_330] : memref<16448x1024xf32, #tpu.memory_space<hbm>> -> memref<32x1024xf32, #tpu.memory_space<hbm>>
    %dma_wait3A_332 = arith.constant 0 : i32
    %dma_wait3A_333 = arith.constant 0 : i32
    %dma_wait3A_334 = tpu.memref_slice %arg5[%dma_wait3A_320, %dma_wait3A_332, %dma_wait3A_333] : memref<3x32x1024xf32, #tpu.memory_space<vmem>> -> memref<1x32x1024xf32, #tpu.memory_space<vmem>>
    %dma_wait3A_335 = tpu.memref_squeeze %dma_wait3A_334 : memref<1x32x1024xf32, #tpu.memory_space<vmem>> -> memref<32x1024xf32, #tpu.memory_space<vmem>>
    tpu.wait_dma2 semaphore(%dma_wait3A_329 : memref<!tpu.dma_semaphore, #tpu.memory_space<semaphore_mem>>) src(%dma_wait3A_335 : memref<32x1024xf32, #tpu.memory_space<vmem>>) dst(%dma_wait3A_331 : memref<32x1024xf32, #tpu.memory_space<hbm>>)
    %dma_start3A_336 = arith.constant 2 : i32
    %dma_start3A_337 = arith.constant 2 : i32
    %dma_start3A_338 = arith.constant 0 : i32
    %dma_start3A_339 = arith.constant 0 : i32
    %dma_start3A_340 = tpu.memref_slice %arg5[%dma_start3A_336, %dma_start3A_338, %dma_start3A_339] : memref<3x32x1024xf32, #tpu.memory_space<vmem>> -> memref<1x32x1024xf32, #tpu.memory_space<vmem>>
    %dma_start3A_341 = tpu.memref_squeeze %dma_start3A_340 : memref<1x32x1024xf32, #tpu.memory_space<vmem>> -> memref<32x1024xf32, #tpu.memory_space<vmem>>
    %dma_start3A_342 = arith.constant 0 : i32
    %dma_start3A_343 = tpu.memref_slice %arg2[%add3A_61, %dma_start3A_342] : memref<16384x1024xf32, #tpu.memory_space<hbm>> -> memref<32x1024xf32, #tpu.memory_space<hbm>>
    %dma_start3A_344 = tpu.memref_slice %arg7[%dma_start3A_337] : memref<3x!tpu.dma_semaphore, #tpu.memory_space<semaphore_mem>> -> memref<1x!tpu.dma_semaphore, #tpu.memory_space<semaphore_mem>>
    %dma_start3A_345 = tpu.memref_squeeze %dma_start3A_344 : memref<1x!tpu.dma_semaphore, #tpu.memory_space<semaphore_mem>> -> memref<!tpu.dma_semaphore, #tpu.memory_space<semaphore_mem>>
    %dma_start3A_346 = arith.constant 0 : i32
    %dma_start3A_347 = arith.constant 0 : i32
    %dma_start3A_348 = tpu.memref_slice %arg5[%dma_start3A_336, %dma_start3A_346, %dma_start3A_347] : memref<3x32x1024xf32, #tpu.memory_space<vmem>> -> memref<1x32x1024xf32, #tpu.memory_space<vmem>>
    %dma_start3A_349 = tpu.memref_squeeze %dma_start3A_348 : memref<1x32x1024xf32, #tpu.memory_space<vmem>> -> memref<32x1024xf32, #tpu.memory_space<vmem>>
    %dma_start3A_350 = arith.constant 0 : i32
    %dma_start3A_351 = tpu.memref_slice %arg2[%add3A_61, %dma_start3A_350] : memref<16384x1024xf32, #tpu.memory_space<hbm>> -> memref<32x1024xf32, #tpu.memory_space<hbm>>
    tpu.enqueue_dma source(%dma_start3A_351 : memref<32x1024xf32, #tpu.memory_space<hbm>>) target(%dma_start3A_349 : memref<32x1024xf32, #tpu.memory_space<vmem>>) target_semaphore(%dma_start3A_345 : memref<!tpu.dma_semaphore, #tpu.memory_space<semaphore_mem>>)
    %dma_wait3A_352 = arith.constant 0 : i32
    %dma_wait3A_353 = arith.constant 0 : i32
    %dma_wait3A_354 = arith.constant 0 : i32
    %dma_wait3A_355 = arith.constant 0 : i32
    %dma_wait3A_356 = tpu.memref_slice %arg5[%dma_wait3A_352, %dma_wait3A_354, %dma_wait3A_355] : memref<3x32x1024xf32, #tpu.memory_space<vmem>> -> memref<1x32x1024xf32, #tpu.memory_space<vmem>>
    %dma_wait3A_357 = tpu.memref_squeeze %dma_wait3A_356 : memref<1x32x1024xf32, #tpu.memory_space<vmem>> -> memref<32x1024xf32, #tpu.memory_space<vmem>>
    %dma_wait3A_358 = arith.constant 0 : i32
    %dma_wait3A_359 = tpu.memref_slice %arg2[%add3A_53, %dma_wait3A_358] : memref<16384x1024xf32, #tpu.memory_space<hbm>> -> memref<32x1024xf32, #tpu.memory_space<hbm>>
    %dma_wait3A_360 = tpu.memref_slice %arg7[%dma_wait3A_353] : memref<3x!tpu.dma_semaphore, #tpu.memory_space<semaphore_mem>> -> memref<1x!tpu.dma_semaphore, #tpu.memory_space<semaphore_mem>>
    %dma_wait3A_361 = tpu.memref_squeeze %dma_wait3A_360 : memref<1x!tpu.dma_semaphore, #tpu.memory_space<semaphore_mem>> -> memref<!tpu.dma_semaphore, #tpu.memory_space<semaphore_mem>>
    %dma_wait3A_362 = arith.constant 0 : i32
    %dma_wait3A_363 = arith.constant 0 : i32
    %dma_wait3A_364 = tpu.memref_slice %arg5[%dma_wait3A_352, %dma_wait3A_362, %dma_wait3A_363] : memref<3x32x1024xf32, #tpu.memory_space<vmem>> -> memref<1x32x1024xf32, #tpu.memory_space<vmem>>
    %dma_wait3A_365 = tpu.memref_squeeze %dma_wait3A_364 : memref<1x32x1024xf32, #tpu.memory_space<vmem>> -> memref<32x1024xf32, #tpu.memory_space<vmem>>
    %dma_wait3A_366 = arith.constant 0 : i32
    %dma_wait3A_367 = tpu.memref_slice %arg2[%add3A_53, %dma_wait3A_366] : memref<16384x1024xf32, #tpu.memory_space<hbm>> -> memref<32x1024xf32, #tpu.memory_space<hbm>>
    tpu.wait_dma2 semaphore(%dma_wait3A_361 : memref<!tpu.dma_semaphore, #tpu.memory_space<semaphore_mem>>) src(%dma_wait3A_367 : memref<32x1024xf32, #tpu.memory_space<hbm>>) dst(%dma_wait3A_365 : memref<32x1024xf32, #tpu.memory_space<vmem>>)
    %dma_start3A_368 = arith.constant 0 : i32
    %dma_start3A_369 = arith.constant 0 : i32
    %dma_start3A_370 = arith.constant 0 : i32
    %dma_start3A_371 = arith.constant 0 : i32
    %dma_start3A_372 = tpu.memref_slice %arg5[%dma_start3A_368, %dma_start3A_370, %dma_start3A_371] : memref<3x32x1024xf32, #tpu.memory_space<vmem>> -> memref<1x32x1024xf32, #tpu.memory_space<vmem>>
    %dma_start3A_373 = tpu.memref_squeeze %dma_start3A_372 : memref<1x32x1024xf32, #tpu.memory_space<vmem>> -> memref<32x1024xf32, #tpu.memory_space<vmem>>
    %dma_start3A_374 = arith.constant 0 : i32
    %dma_start3A_375 = tpu.memref_slice %arg4[%add3A_55, %dma_start3A_374] : memref<16448x1024xf32, #tpu.memory_space<hbm>> -> memref<32x1024xf32, #tpu.memory_space<hbm>>
    %dma_start3A_376 = tpu.memref_slice %arg8[%dma_start3A_369] : memref<3x!tpu.dma_semaphore, #tpu.memory_space<semaphore_mem>> -> memref<1x!tpu.dma_semaphore, #tpu.memory_space<semaphore_mem>>
    %dma_start3A_377 = tpu.memref_squeeze %dma_start3A_376 : memref<1x!tpu.dma_semaphore, #tpu.memory_space<semaphore_mem>> -> memref<!tpu.dma_semaphore, #tpu.memory_space<semaphore_mem>>
    %dma_start3A_378 = arith.constant 0 : i32
    %dma_start3A_379 = tpu.memref_slice %arg4[%add3A_55, %dma_start3A_378] : memref<16448x1024xf32, #tpu.memory_space<hbm>> -> memref<32x1024xf32, #tpu.memory_space<hbm>>
    %dma_start3A_380 = arith.constant 0 : i32
    %dma_start3A_381 = arith.constant 0 : i32
    %dma_start3A_382 = tpu.memref_slice %arg5[%dma_start3A_368, %dma_start3A_380, %dma_start3A_381] : memref<3x32x1024xf32, #tpu.memory_space<vmem>> -> memref<1x32x1024xf32, #tpu.memory_space<vmem>>
    %dma_start3A_383 = tpu.memref_squeeze %dma_start3A_382 : memref<1x32x1024xf32, #tpu.memory_space<vmem>> -> memref<32x1024xf32, #tpu.memory_space<vmem>>
    tpu.enqueue_dma source(%dma_start3A_383 : memref<32x1024xf32, #tpu.memory_space<vmem>>) target(%dma_start3A_379 : memref<32x1024xf32, #tpu.memory_space<hbm>>) target_semaphore(%dma_start3A_377 : memref<!tpu.dma_semaphore, #tpu.memory_space<semaphore_mem>>)
    %dma_wait3A_384 = arith.constant 0 : i32
    %dma_wait3A_385 = arith.constant 0 : i32
    %dma_wait3A_386 = arith.constant 0 : i32
    %dma_wait3A_387 = arith.constant 0 : i32
    %dma_wait3A_388 = tpu.memref_slice %arg5[%dma_wait3A_384, %dma_wait3A_386, %dma_wait3A_387] : memref<3x32x1024xf32, #tpu.memory_space<vmem>> -> memref<1x32x1024xf32, #tpu.memory_space<vmem>>
    %dma_wait3A_389 = tpu.memref_squeeze %dma_wait3A_388 : memref<1x32x1024xf32, #tpu.memory_space<vmem>> -> memref<32x1024xf32, #tpu.memory_space<vmem>>
    %dma_wait3A_390 = arith.constant 0 : i32
    %dma_wait3A_391 = tpu.memref_slice %arg4[%add3A_55, %dma_wait3A_390] : memref<16448x1024xf32, #tpu.memory_space<hbm>> -> memref<32x1024xf32, #tpu.memory_space<hbm>>
    %dma_wait3A_392 = tpu.memref_slice %arg8[%dma_wait3A_385] : memref<3x!tpu.dma_semaphore, #tpu.memory_space<semaphore_mem>> -> memref<1x!tpu.dma_semaphore, #tpu.memory_space<semaphore_mem>>
    %dma_wait3A_393 = tpu.memref_squeeze %dma_wait3A_392 : memref<1x!tpu.dma_semaphore, #tpu.memory_space<semaphore_mem>> -> memref<!tpu.dma_semaphore, #tpu.memory_space<semaphore_mem>>
    %dma_wait3A_394 = arith.constant 0 : i32
    %dma_wait3A_395 = tpu.memref_slice %arg4[%add3A_55, %dma_wait3A_394] : memref<16448x1024xf32, #tpu.memory_space<hbm>> -> memref<32x1024xf32, #tpu.memory_space<hbm>>
    %dma_wait3A_396 = arith.constant 0 : i32
    %dma_wait3A_397 = arith.constant 0 : i32
    %dma_wait3A_398 = tpu.memref_slice %arg5[%dma_wait3A_384, %dma_wait3A_396, %dma_wait3A_397] : memref<3x32x1024xf32, #tpu.memory_space<vmem>> -> memref<1x32x1024xf32, #tpu.memory_space<vmem>>
    %dma_wait3A_399 = tpu.memref_squeeze %dma_wait3A_398 : memref<1x32x1024xf32, #tpu.memory_space<vmem>> -> memref<32x1024xf32, #tpu.memory_space<vmem>>
    tpu.wait_dma2 semaphore(%dma_wait3A_393 : memref<!tpu.dma_semaphore, #tpu.memory_space<semaphore_mem>>) src(%dma_wait3A_399 : memref<32x1024xf32, #tpu.memory_space<vmem>>) dst(%dma_wait3A_395 : memref<32x1024xf32, #tpu.memory_space<hbm>>)
    %dma_start3A_400 = arith.constant 0 : i32
    %dma_start3A_401 = arith.constant 0 : i32
    %dma_start3A_402 = arith.constant 0 : i32
    %dma_start3A_403 = arith.constant 0 : i32
    %dma_start3A_404 = tpu.memref_slice %arg5[%dma_start3A_400, %dma_start3A_402, %dma_start3A_403] : memref<3x32x1024xf32, #tpu.memory_space<vmem>> -> memref<1x32x1024xf32, #tpu.memory_space<vmem>>
    %dma_start3A_405 = tpu.memref_squeeze %dma_start3A_404 : memref<1x32x1024xf32, #tpu.memory_space<vmem>> -> memref<32x1024xf32, #tpu.memory_space<vmem>>
    %dma_start3A_406 = arith.constant 0 : i32
    %dma_start3A_407 = tpu.memref_slice %arg2[%add3A_65, %dma_start3A_406] : memref<16384x1024xf32, #tpu.memory_space<hbm>> -> memref<32x1024xf32, #tpu.memory_space<hbm>>
    %dma_start3A_408 = tpu.memref_slice %arg7[%dma_start3A_401] : memref<3x!tpu.dma_semaphore, #tpu.memory_space<semaphore_mem>> -> memref<1x!tpu.dma_semaphore, #tpu.memory_space<semaphore_mem>>
    %dma_start3A_409 = tpu.memref_squeeze %dma_start3A_408 : memref<1x!tpu.dma_semaphore, #tpu.memory_space<semaphore_mem>> -> memref<!tpu.dma_semaphore, #tpu.memory_space<semaphore_mem>>
    %dma_start3A_410 = arith.constant 0 : i32
    %dma_start3A_411 = arith.constant 0 : i32
    %dma_start3A_412 = tpu.memref_slice %arg5[%dma_start3A_400, %dma_start3A_410, %dma_start3A_411] : memref<3x32x1024xf32, #tpu.memory_space<vmem>> -> memref<1x32x1024xf32, #tpu.memory_space<vmem>>
    %dma_start3A_413 = tpu.memref_squeeze %dma_start3A_412 : memref<1x32x1024xf32, #tpu.memory_space<vmem>> -> memref<32x1024xf32, #tpu.memory_space<vmem>>
    %dma_start3A_414 = arith.constant 0 : i32
    %dma_start3A_415 = tpu.memref_slice %arg2[%add3A_65, %dma_start3A_414] : memref<16384x1024xf32, #tpu.memory_space<hbm>> -> memref<32x1024xf32, #tpu.memory_space<hbm>>
    tpu.enqueue_dma source(%dma_start3A_415 : memref<32x1024xf32, #tpu.memory_space<hbm>>) target(%dma_start3A_413 : memref<32x1024xf32, #tpu.memory_space<vmem>>) target_semaphore(%dma_start3A_409 : memref<!tpu.dma_semaphore, #tpu.memory_space<semaphore_mem>>)
    %dma_wait3A_416 = arith.constant 1 : i32
    %dma_wait3A_417 = arith.constant 1 : i32
    %dma_wait3A_418 = arith.constant 0 : i32
    %dma_wait3A_419 = arith.constant 0 : i32
    %dma_wait3A_420 = tpu.memref_slice %arg5[%dma_wait3A_416, %dma_wait3A_418, %dma_wait3A_419] : memref<3x32x1024xf32, #tpu.memory_space<vmem>> -> memref<1x32x1024xf32, #tpu.memory_space<vmem>>
    %dma_wait3A_421 = tpu.memref_squeeze %dma_wait3A_420 : memref<1x32x1024xf32, #tpu.memory_space<vmem>> -> memref<32x1024xf32, #tpu.memory_space<vmem>>
    %dma_wait3A_422 = arith.constant 0 : i32
    %dma_wait3A_423 = tpu.memref_slice %arg2[%add3A_57, %dma_wait3A_422] : memref<16384x1024xf32, #tpu.memory_space<hbm>> -> memref<32x1024xf32, #tpu.memory_space<hbm>>
    %dma_wait3A_424 = tpu.memref_slice %arg7[%dma_wait3A_417] : memref<3x!tpu.dma_semaphore, #tpu.memory_space<semaphore_mem>> -> memref<1x!tpu.dma_semaphore, #tpu.memory_space<semaphore_mem>>
    %dma_wait3A_425 = tpu.memref_squeeze %dma_wait3A_424 : memref<1x!tpu.dma_semaphore, #tpu.memory_space<semaphore_mem>> -> memref<!tpu.dma_semaphore, #tpu.memory_space<semaphore_mem>>
    %dma_wait3A_426 = arith.constant 0 : i32
    %dma_wait3A_427 = arith.constant 0 : i32
    %dma_wait3A_428 = tpu.memref_slice %arg5[%dma_wait3A_416, %dma_wait3A_426, %dma_wait3A_427] : memref<3x32x1024xf32, #tpu.memory_space<vmem>> -> memref<1x32x1024xf32, #tpu.memory_space<vmem>>
    %dma_wait3A_429 = tpu.memref_squeeze %dma_wait3A_428 : memref<1x32x1024xf32, #tpu.memory_space<vmem>> -> memref<32x1024xf32, #tpu.memory_space<vmem>>
    %dma_wait3A_430 = arith.constant 0 : i32
    %dma_wait3A_431 = tpu.memref_slice %arg2[%add3A_57, %dma_wait3A_430] : memref<16384x1024xf32, #tpu.memory_space<hbm>> -> memref<32x1024xf32, #tpu.memory_space<hbm>>
    tpu.wait_dma2 semaphore(%dma_wait3A_425 : memref<!tpu.dma_semaphore, #tpu.memory_space<semaphore_mem>>) src(%dma_wait3A_431 : memref<32x1024xf32, #tpu.memory_space<hbm>>) dst(%dma_wait3A_429 : memref<32x1024xf32, #tpu.memory_space<vmem>>)
    %dma_start3A_432 = arith.constant 1 : i32
    %dma_start3A_433 = arith.constant 1 : i32
    %dma_start3A_434 = arith.constant 0 : i32
    %dma_start3A_435 = arith.constant 0 : i32
    %dma_start3A_436 = tpu.memref_slice %arg5[%dma_start3A_432, %dma_start3A_434, %dma_start3A_435] : memref<3x32x1024xf32, #tpu.memory_space<vmem>> -> memref<1x32x1024xf32, #tpu.memory_space<vmem>>
    %dma_start3A_437 = tpu.memref_squeeze %dma_start3A_436 : memref<1x32x1024xf32, #tpu.memory_space<vmem>> -> memref<32x1024xf32, #tpu.memory_space<vmem>>
    %dma_start3A_438 = arith.constant 0 : i32
    %dma_start3A_439 = tpu.memref_slice %arg4[%add3A_59, %dma_start3A_438] : memref<16448x1024xf32, #tpu.memory_space<hbm>> -> memref<32x1024xf32, #tpu.memory_space<hbm>>
    %dma_start3A_440 = tpu.memref_slice %arg8[%dma_start3A_433] : memref<3x!tpu.dma_semaphore, #tpu.memory_space<semaphore_mem>> -> memref<1x!tpu.dma_semaphore, #tpu.memory_space<semaphore_mem>>
    %dma_start3A_441 = tpu.memref_squeeze %dma_start3A_440 : memref<1x!tpu.dma_semaphore, #tpu.memory_space<semaphore_mem>> -> memref<!tpu.dma_semaphore, #tpu.memory_space<semaphore_mem>>
    %dma_start3A_442 = arith.constant 0 : i32
    %dma_start3A_443 = tpu.memref_slice %arg4[%add3A_59, %dma_start3A_442] : memref<16448x1024xf32, #tpu.memory_space<hbm>> -> memref<32x1024xf32, #tpu.memory_space<hbm>>
    %dma_start3A_444 = arith.constant 0 : i32
    %dma_start3A_445 = arith.constant 0 : i32
    %dma_start3A_446 = tpu.memref_slice %arg5[%dma_start3A_432, %dma_start3A_444, %dma_start3A_445] : memref<3x32x1024xf32, #tpu.memory_space<vmem>> -> memref<1x32x1024xf32, #tpu.memory_space<vmem>>
    %dma_start3A_447 = tpu.memref_squeeze %dma_start3A_446 : memref<1x32x1024xf32, #tpu.memory_space<vmem>> -> memref<32x1024xf32, #tpu.memory_space<vmem>>
    tpu.enqueue_dma source(%dma_start3A_447 : memref<32x1024xf32, #tpu.memory_space<vmem>>) target(%dma_start3A_443 : memref<32x1024xf32, #tpu.memory_space<hbm>>) target_semaphore(%dma_start3A_441 : memref<!tpu.dma_semaphore, #tpu.memory_space<semaphore_mem>>)
    %dma_wait3A_448 = arith.constant 1 : i32
    %dma_wait3A_449 = arith.constant 1 : i32
    %dma_wait3A_450 = arith.constant 0 : i32
    %dma_wait3A_451 = arith.constant 0 : i32
    %dma_wait3A_452 = tpu.memref_slice %arg5[%dma_wait3A_448, %dma_wait3A_450, %dma_wait3A_451] : memref<3x32x1024xf32, #tpu.memory_space<vmem>> -> memref<1x32x1024xf32, #tpu.memory_space<vmem>>
    %dma_wait3A_453 = tpu.memref_squeeze %dma_wait3A_452 : memref<1x32x1024xf32, #tpu.memory_space<vmem>> -> memref<32x1024xf32, #tpu.memory_space<vmem>>
    %dma_wait3A_454 = arith.constant 0 : i32
    %dma_wait3A_455 = tpu.memref_slice %arg4[%add3A_59, %dma_wait3A_454] : memref<16448x1024xf32, #tpu.memory_space<hbm>> -> memref<32x1024xf32, #tpu.memory_space<hbm>>
    %dma_wait3A_456 = tpu.memref_slice %arg8[%dma_wait3A_449] : memref<3x!tpu.dma_semaphore, #tpu.memory_space<semaphore_mem>> -> memref<1x!tpu.dma_semaphore, #tpu.memory_space<semaphore_mem>>
    %dma_wait3A_457 = tpu.memref_squeeze %dma_wait3A_456 : memref<1x!tpu.dma_semaphore, #tpu.memory_space<semaphore_mem>> -> memref<!tpu.dma_semaphore, #tpu.memory_space<semaphore_mem>>
    %dma_wait3A_458 = arith.constant 0 : i32
    %dma_wait3A_459 = tpu.memref_slice %arg4[%add3A_59, %dma_wait3A_458] : memref<16448x1024xf32, #tpu.memory_space<hbm>> -> memref<32x1024xf32, #tpu.memory_space<hbm>>
    %dma_wait3A_460 = arith.constant 0 : i32
    %dma_wait3A_461 = arith.constant 0 : i32
    %dma_wait3A_462 = tpu.memref_slice %arg5[%dma_wait3A_448, %dma_wait3A_460, %dma_wait3A_461] : memref<3x32x1024xf32, #tpu.memory_space<vmem>> -> memref<1x32x1024xf32, #tpu.memory_space<vmem>>
    %dma_wait3A_463 = tpu.memref_squeeze %dma_wait3A_462 : memref<1x32x1024xf32, #tpu.memory_space<vmem>> -> memref<32x1024xf32, #tpu.memory_space<vmem>>
    tpu.wait_dma2 semaphore(%dma_wait3A_457 : memref<!tpu.dma_semaphore, #tpu.memory_space<semaphore_mem>>) src(%dma_wait3A_463 : memref<32x1024xf32, #tpu.memory_space<vmem>>) dst(%dma_wait3A_459 : memref<32x1024xf32, #tpu.memory_space<hbm>>)
    %dma_start3A_464 = arith.constant 1 : i32
    %dma_start3A_465 = arith.constant 1 : i32
    %dma_start3A_466 = arith.constant 0 : i32
    %dma_start3A_467 = arith.constant 0 : i32
    %dma_start3A_468 = tpu.memref_slice %arg5[%dma_start3A_464, %dma_start3A_466, %dma_start3A_467] : memref<3x32x1024xf32, #tpu.memory_space<vmem>> -> memref<1x32x1024xf32, #tpu.memory_space<vmem>>
    %dma_start3A_469 = tpu.memref_squeeze %dma_start3A_468 : memref<1x32x1024xf32, #tpu.memory_space<vmem>> -> memref<32x1024xf32, #tpu.memory_space<vmem>>
    %dma_start3A_470 = arith.constant 0 : i32
    %dma_start3A_471 = tpu.memref_slice %arg2[%add3A_69, %dma_start3A_470] : memref<16384x1024xf32, #tpu.memory_space<hbm>> -> memref<32x1024xf32, #tpu.memory_space<hbm>>
    %dma_start3A_472 = tpu.memref_slice %arg7[%dma_start3A_465] : memref<3x!tpu.dma_semaphore, #tpu.memory_space<semaphore_mem>> -> memref<1x!tpu.dma_semaphore, #tpu.memory_space<semaphore_mem>>
    %dma_start3A_473 = tpu.memref_squeeze %dma_start3A_472 : memref<1x!tpu.dma_semaphore, #tpu.memory_space<semaphore_mem>> -> memref<!tpu.dma_semaphore, #tpu.memory_space<semaphore_mem>>
    %dma_start3A_474 = arith.constant 0 : i32
    %dma_start3A_475 = arith.constant 0 : i32
    %dma_start3A_476 = tpu.memref_slice %arg5[%dma_start3A_464, %dma_start3A_474, %dma_start3A_475] : memref<3x32x1024xf32, #tpu.memory_space<vmem>> -> memref<1x32x1024xf32, #tpu.memory_space<vmem>>
    %dma_start3A_477 = tpu.memref_squeeze %dma_start3A_476 : memref<1x32x1024xf32, #tpu.memory_space<vmem>> -> memref<32x1024xf32, #tpu.memory_space<vmem>>
    %dma_start3A_478 = arith.constant 0 : i32
    %dma_start3A_479 = tpu.memref_slice %arg2[%add3A_69, %dma_start3A_478] : memref<16384x1024xf32, #tpu.memory_space<hbm>> -> memref<32x1024xf32, #tpu.memory_space<hbm>>
    tpu.enqueue_dma source(%dma_start3A_479 : memref<32x1024xf32, #tpu.memory_space<hbm>>) target(%dma_start3A_477 : memref<32x1024xf32, #tpu.memory_space<vmem>>) target_semaphore(%dma_start3A_473 : memref<!tpu.dma_semaphore, #tpu.memory_space<semaphore_mem>>)
    %dma_wait3A_480 = arith.constant 2 : i32
    %dma_wait3A_481 = arith.constant 2 : i32
    %dma_wait3A_482 = arith.constant 0 : i32
    %dma_wait3A_483 = arith.constant 0 : i32
    %dma_wait3A_484 = tpu.memref_slice %arg5[%dma_wait3A_480, %dma_wait3A_482, %dma_wait3A_483] : memref<3x32x1024xf32, #tpu.memory_space<vmem>> -> memref<1x32x1024xf32, #tpu.memory_space<vmem>>
    %dma_wait3A_485 = tpu.memref_squeeze %dma_wait3A_484 : memref<1x32x1024xf32, #tpu.memory_space<vmem>> -> memref<32x1024xf32, #tpu.memory_space<vmem>>
    %dma_wait3A_486 = arith.constant 0 : i32
    %dma_wait3A_487 = tpu.memref_slice %arg2[%add3A_61, %dma_wait3A_486] : memref<16384x1024xf32, #tpu.memory_space<hbm>> -> memref<32x1024xf32, #tpu.memory_space<hbm>>
    %dma_wait3A_488 = tpu.memref_slice %arg7[%dma_wait3A_481] : memref<3x!tpu.dma_semaphore, #tpu.memory_space<semaphore_mem>> -> memref<1x!tpu.dma_semaphore, #tpu.memory_space<semaphore_mem>>
    %dma_wait3A_489 = tpu.memref_squeeze %dma_wait3A_488 : memref<1x!tpu.dma_semaphore, #tpu.memory_space<semaphore_mem>> -> memref<!tpu.dma_semaphore, #tpu.memory_space<semaphore_mem>>
    %dma_wait3A_490 = arith.constant 0 : i32
    %dma_wait3A_491 = arith.constant 0 : i32
    %dma_wait3A_492 = tpu.memref_slice %arg5[%dma_wait3A_480, %dma_wait3A_490, %dma_wait3A_491] : memref<3x32x1024xf32, #tpu.memory_space<vmem>> -> memref<1x32x1024xf32, #tpu.memory_space<vmem>>
    %dma_wait3A_493 = tpu.memref_squeeze %dma_wait3A_492 : memref<1x32x1024xf32, #tpu.memory_space<vmem>> -> memref<32x1024xf32, #tpu.memory_space<vmem>>
    %dma_wait3A_494 = arith.constant 0 : i32
    %dma_wait3A_495 = tpu.memref_slice %arg2[%add3A_61, %dma_wait3A_494] : memref<16384x1024xf32, #tpu.memory_space<hbm>> -> memref<32x1024xf32, #tpu.memory_space<hbm>>
    tpu.wait_dma2 semaphore(%dma_wait3A_489 : memref<!tpu.dma_semaphore, #tpu.memory_space<semaphore_mem>>) src(%dma_wait3A_495 : memref<32x1024xf32, #tpu.memory_space<hbm>>) dst(%dma_wait3A_493 : memref<32x1024xf32, #tpu.memory_space<vmem>>)
    %dma_start3A_496 = arith.constant 2 : i32
    %dma_start3A_497 = arith.constant 2 : i32
    %dma_start3A_498 = arith.constant 0 : i32
    %dma_start3A_499 = arith.constant 0 : i32
    %dma_start3A_500 = tpu.memref_slice %arg5[%dma_start3A_496, %dma_start3A_498, %dma_start3A_499] : memref<3x32x1024xf32, #tpu.memory_space<vmem>> -> memref<1x32x1024xf32, #tpu.memory_space<vmem>>
    %dma_start3A_501 = tpu.memref_squeeze %dma_start3A_500 : memref<1x32x1024xf32, #tpu.memory_space<vmem>> -> memref<32x1024xf32, #tpu.memory_space<vmem>>
    %dma_start3A_502 = arith.constant 0 : i32
    %dma_start3A_503 = tpu.memref_slice %arg4[%add3A_63, %dma_start3A_502] : memref<16448x1024xf32, #tpu.memory_space<hbm>> -> memref<32x1024xf32, #tpu.memory_space<hbm>>
    %dma_start3A_504 = tpu.memref_slice %arg8[%dma_start3A_497] : memref<3x!tpu.dma_semaphore, #tpu.memory_space<semaphore_mem>> -> memref<1x!tpu.dma_semaphore, #tpu.memory_space<semaphore_mem>>
    %dma_start3A_505 = tpu.memref_squeeze %dma_start3A_504 : memref<1x!tpu.dma_semaphore, #tpu.memory_space<semaphore_mem>> -> memref<!tpu.dma_semaphore, #tpu.memory_space<semaphore_mem>>
    %dma_start3A_506 = arith.constant 0 : i32
    %dma_start3A_507 = tpu.memref_slice %arg4[%add3A_63, %dma_start3A_506] : memref<16448x1024xf32, #tpu.memory_space<hbm>> -> memref<32x1024xf32, #tpu.memory_space<hbm>>
    %dma_start3A_508 = arith.constant 0 : i32
    %dma_start3A_509 = arith.constant 0 : i32
    %dma_start3A_510 = tpu.memref_slice %arg5[%dma_start3A_496, %dma_start3A_508, %dma_start3A_509] : memref<3x32x1024xf32, #tpu.memory_space<vmem>> -> memref<1x32x1024xf32, #tpu.memory_space<vmem>>
    %dma_start3A_511 = tpu.memref_squeeze %dma_start3A_510 : memref<1x32x1024xf32, #tpu.memory_space<vmem>> -> memref<32x1024xf32, #tpu.memory_space<vmem>>
    tpu.enqueue_dma source(%dma_start3A_511 : memref<32x1024xf32, #tpu.memory_space<vmem>>) target(%dma_start3A_507 : memref<32x1024xf32, #tpu.memory_space<hbm>>) target_semaphore(%dma_start3A_505 : memref<!tpu.dma_semaphore, #tpu.memory_space<semaphore_mem>>)
    %dma_wait3A_512 = arith.constant 2 : i32
    %dma_wait3A_513 = arith.constant 2 : i32
    %dma_wait3A_514 = arith.constant 0 : i32
    %dma_wait3A_515 = arith.constant 0 : i32
    %dma_wait3A_516 = tpu.memref_slice %arg5[%dma_wait3A_512, %dma_wait3A_514, %dma_wait3A_515] : memref<3x32x1024xf32, #tpu.memory_space<vmem>> -> memref<1x32x1024xf32, #tpu.memory_space<vmem>>
    %dma_wait3A_517 = tpu.memref_squeeze %dma_wait3A_516 : memref<1x32x1024xf32, #tpu.memory_space<vmem>> -> memref<32x1024xf32, #tpu.memory_space<vmem>>
    %dma_wait3A_518 = arith.constant 0 : i32
    %dma_wait3A_519 = tpu.memref_slice %arg4[%add3A_63, %dma_wait3A_518] : memref<16448x1024xf32, #tpu.memory_space<hbm>> -> memref<32x1024xf32, #tpu.memory_space<hbm>>
    %dma_wait3A_520 = tpu.memref_slice %arg8[%dma_wait3A_513] : memref<3x!tpu.dma_semaphore, #tpu.memory_space<semaphore_mem>> -> memref<1x!tpu.dma_semaphore, #tpu.memory_space<semaphore_mem>>
    %dma_wait3A_521 = tpu.memref_squeeze %dma_wait3A_520 : memref<1x!tpu.dma_semaphore, #tpu.memory_space<semaphore_mem>> -> memref<!tpu.dma_semaphore, #tpu.memory_space<semaphore_mem>>
    %dma_wait3A_522 = arith.constant 0 : i32
    %dma_wait3A_523 = tpu.memref_slice %arg4[%add3A_63, %dma_wait3A_522] : memref<16448x1024xf32, #tpu.memory_space<hbm>> -> memref<32x1024xf32, #tpu.memory_space<hbm>>
    %dma_wait3A_524 = arith.constant 0 : i32
    %dma_wait3A_525 = arith.constant 0 : i32
    %dma_wait3A_526 = tpu.memref_slice %arg5[%dma_wait3A_512, %dma_wait3A_524, %dma_wait3A_525] : memref<3x32x1024xf32, #tpu.memory_space<vmem>> -> memref<1x32x1024xf32, #tpu.memory_space<vmem>>
    %dma_wait3A_527 = tpu.memref_squeeze %dma_wait3A_526 : memref<1x32x1024xf32, #tpu.memory_space<vmem>> -> memref<32x1024xf32, #tpu.memory_space<vmem>>
    tpu.wait_dma2 semaphore(%dma_wait3A_521 : memref<!tpu.dma_semaphore, #tpu.memory_space<semaphore_mem>>) src(%dma_wait3A_527 : memref<32x1024xf32, #tpu.memory_space<vmem>>) dst(%dma_wait3A_523 : memref<32x1024xf32, #tpu.memory_space<hbm>>)
    %dma_start3A_528 = arith.constant 2 : i32
    %dma_start3A_529 = arith.constant 2 : i32
    %dma_start3A_530 = arith.constant 0 : i32
    %dma_start3A_531 = arith.constant 0 : i32
    %dma_start3A_532 = tpu.memref_slice %arg5[%dma_start3A_528, %dma_start3A_530, %dma_start3A_531] : memref<3x32x1024xf32, #tpu.memory_space<vmem>> -> memref<1x32x1024xf32, #tpu.memory_space<vmem>>
    %dma_start3A_533 = tpu.memref_squeeze %dma_start3A_532 : memref<1x32x1024xf32, #tpu.memory_space<vmem>> -> memref<32x1024xf32, #tpu.memory_space<vmem>>
    %dma_start3A_534 = arith.constant 0 : i32
    %dma_start3A_535 = tpu.memref_slice %arg2[%add3A_73, %dma_start3A_534] : memref<16384x1024xf32, #tpu.memory_space<hbm>> -> memref<32x1024xf32, #tpu.memory_space<hbm>>
    %dma_start3A_536 = tpu.memref_slice %arg7[%dma_start3A_529] : memref<3x!tpu.dma_semaphore, #tpu.memory_space<semaphore_mem>> -> memref<1x!tpu.dma_semaphore, #tpu.memory_space<semaphore_mem>>
    %dma_start3A_537 = tpu.memref_squeeze %dma_start3A_536 : memref<1x!tpu.dma_semaphore, #tpu.memory_space<semaphore_mem>> -> memref<!tpu.dma_semaphore, #tpu.memory_space<semaphore_mem>>
    %dma_start3A_538 = arith.constant 0 : i32
    %dma_start3A_539 = arith.constant 0 : i32
    %dma_start3A_540 = tpu.memref_slice %arg5[%dma_start3A_528, %dma_start3A_538, %dma_start3A_539] : memref<3x32x1024xf32, #tpu.memory_space<vmem>> -> memref<1x32x1024xf32, #tpu.memory_space<vmem>>
    %dma_start3A_541 = tpu.memref_squeeze %dma_start3A_540 : memref<1x32x1024xf32, #tpu.memory_space<vmem>> -> memref<32x1024xf32, #tpu.memory_space<vmem>>
    %dma_start3A_542 = arith.constant 0 : i32
    %dma_start3A_543 = tpu.memref_slice %arg2[%add3A_73, %dma_start3A_542] : memref<16384x1024xf32, #tpu.memory_space<hbm>> -> memref<32x1024xf32, #tpu.memory_space<hbm>>
    tpu.enqueue_dma source(%dma_start3A_543 : memref<32x1024xf32, #tpu.memory_space<hbm>>) target(%dma_start3A_541 : memref<32x1024xf32, #tpu.memory_space<vmem>>) target_semaphore(%dma_start3A_537 : memref<!tpu.dma_semaphore, #tpu.memory_space<semaphore_mem>>)
    %dma_wait3A_544 = arith.constant 0 : i32
    %dma_wait3A_545 = arith.constant 0 : i32
    %dma_wait3A_546 = arith.constant 0 : i32
    %dma_wait3A_547 = arith.constant 0 : i32
    %dma_wait3A_548 = tpu.memref_slice %arg5[%dma_wait3A_544, %dma_wait3A_546, %dma_wait3A_547] : memref<3x32x1024xf32, #tpu.memory_space<vmem>> -> memref<1x32x1024xf32, #tpu.memory_space<vmem>>
    %dma_wait3A_549 = tpu.memref_squeeze %dma_wait3A_548 : memref<1x32x1024xf32, #tpu.memory_space<vmem>> -> memref<32x1024xf32, #tpu.memory_space<vmem>>
    %dma_wait3A_550 = arith.constant 0 : i32
    %dma_wait3A_551 = tpu.memref_slice %arg2[%add3A_65, %dma_wait3A_550] : memref<16384x1024xf32, #tpu.memory_space<hbm>> -> memref<32x1024xf32, #tpu.memory_space<hbm>>
    %dma_wait3A_552 = tpu.memref_slice %arg7[%dma_wait3A_545] : memref<3x!tpu.dma_semaphore, #tpu.memory_space<semaphore_mem>> -> memref<1x!tpu.dma_semaphore, #tpu.memory_space<semaphore_mem>>
    %dma_wait3A_553 = tpu.memref_squeeze %dma_wait3A_552 : memref<1x!tpu.dma_semaphore, #tpu.memory_space<semaphore_mem>> -> memref<!tpu.dma_semaphore, #tpu.memory_space<semaphore_mem>>
    %dma_wait3A_554 = arith.constant 0 : i32
    %dma_wait3A_555 = arith.constant 0 : i32
    %dma_wait3A_556 = tpu.memref_slice %arg5[%dma_wait3A_544, %dma_wait3A_554, %dma_wait3A_555] : memref<3x32x1024xf32, #tpu.memory_space<vmem>> -> memref<1x32x1024xf32, #tpu.memory_space<vmem>>
    %dma_wait3A_557 = tpu.memref_squeeze %dma_wait3A_556 : memref<1x32x1024xf32, #tpu.memory_space<vmem>> -> memref<32x1024xf32, #tpu.memory_space<vmem>>
    %dma_wait3A_558 = arith.constant 0 : i32
    %dma_wait3A_559 = tpu.memref_slice %arg2[%add3A_65, %dma_wait3A_558] : memref<16384x1024xf32, #tpu.memory_space<hbm>> -> memref<32x1024xf32, #tpu.memory_space<hbm>>
    tpu.wait_dma2 semaphore(%dma_wait3A_553 : memref<!tpu.dma_semaphore, #tpu.memory_space<semaphore_mem>>) src(%dma_wait3A_559 : memref<32x1024xf32, #tpu.memory_space<hbm>>) dst(%dma_wait3A_557 : memref<32x1024xf32, #tpu.memory_space<vmem>>)
    %dma_start3A_560 = arith.constant 0 : i32
    %dma_start3A_561 = arith.constant 0 : i32
    %dma_start3A_562 = arith.constant 0 : i32
    %dma_start3A_563 = arith.constant 0 : i32
    %dma_start3A_564 = tpu.memref_slice %arg5[%dma_start3A_560, %dma_start3A_562, %dma_start3A_563] : memref<3x32x1024xf32, #tpu.memory_space<vmem>> -> memref<1x32x1024xf32, #tpu.memory_space<vmem>>
    %dma_start3A_565 = tpu.memref_squeeze %dma_start3A_564 : memref<1x32x1024xf32, #tpu.memory_space<vmem>> -> memref<32x1024xf32, #tpu.memory_space<vmem>>
    %dma_start3A_566 = arith.constant 0 : i32
    %dma_start3A_567 = tpu.memref_slice %arg4[%add3A_67, %dma_start3A_566] : memref<16448x1024xf32, #tpu.memory_space<hbm>> -> memref<32x1024xf32, #tpu.memory_space<hbm>>
    %dma_start3A_568 = tpu.memref_slice %arg8[%dma_start3A_561] : memref<3x!tpu.dma_semaphore, #tpu.memory_space<semaphore_mem>> -> memref<1x!tpu.dma_semaphore, #tpu.memory_space<semaphore_mem>>
    %dma_start3A_569 = tpu.memref_squeeze %dma_start3A_568 : memref<1x!tpu.dma_semaphore, #tpu.memory_space<semaphore_mem>> -> memref<!tpu.dma_semaphore, #tpu.memory_space<semaphore_mem>>
    %dma_start3A_570 = arith.constant 0 : i32
    %dma_start3A_571 = tpu.memref_slice %arg4[%add3A_67, %dma_start3A_570] : memref<16448x1024xf32, #tpu.memory_space<hbm>> -> memref<32x1024xf32, #tpu.memory_space<hbm>>
    %dma_start3A_572 = arith.constant 0 : i32
    %dma_start3A_573 = arith.constant 0 : i32
    %dma_start3A_574 = tpu.memref_slice %arg5[%dma_start3A_560, %dma_start3A_572, %dma_start3A_573] : memref<3x32x1024xf32, #tpu.memory_space<vmem>> -> memref<1x32x1024xf32, #tpu.memory_space<vmem>>
    %dma_start3A_575 = tpu.memref_squeeze %dma_start3A_574 : memref<1x32x1024xf32, #tpu.memory_space<vmem>> -> memref<32x1024xf32, #tpu.memory_space<vmem>>
    tpu.enqueue_dma source(%dma_start3A_575 : memref<32x1024xf32, #tpu.memory_space<vmem>>) target(%dma_start3A_571 : memref<32x1024xf32, #tpu.memory_space<hbm>>) target_semaphore(%dma_start3A_569 : memref<!tpu.dma_semaphore, #tpu.memory_space<semaphore_mem>>)
    %dma_wait3A_576 = arith.constant 0 : i32
    %dma_wait3A_577 = arith.constant 0 : i32
    %dma_wait3A_578 = arith.constant 0 : i32
    %dma_wait3A_579 = arith.constant 0 : i32
    %dma_wait3A_580 = tpu.memref_slice %arg5[%dma_wait3A_576, %dma_wait3A_578, %dma_wait3A_579] : memref<3x32x1024xf32, #tpu.memory_space<vmem>> -> memref<1x32x1024xf32, #tpu.memory_space<vmem>>
    %dma_wait3A_581 = tpu.memref_squeeze %dma_wait3A_580 : memref<1x32x1024xf32, #tpu.memory_space<vmem>> -> memref<32x1024xf32, #tpu.memory_space<vmem>>
    %dma_wait3A_582 = arith.constant 0 : i32
    %dma_wait3A_583 = tpu.memref_slice %arg4[%add3A_67, %dma_wait3A_582] : memref<16448x1024xf32, #tpu.memory_space<hbm>> -> memref<32x1024xf32, #tpu.memory_space<hbm>>
    %dma_wait3A_584 = tpu.memref_slice %arg8[%dma_wait3A_577] : memref<3x!tpu.dma_semaphore, #tpu.memory_space<semaphore_mem>> -> memref<1x!tpu.dma_semaphore, #tpu.memory_space<semaphore_mem>>
    %dma_wait3A_585 = tpu.memref_squeeze %dma_wait3A_584 : memref<1x!tpu.dma_semaphore, #tpu.memory_space<semaphore_mem>> -> memref<!tpu.dma_semaphore, #tpu.memory_space<semaphore_mem>>
    %dma_wait3A_586 = arith.constant 0 : i32
    %dma_wait3A_587 = tpu.memref_slice %arg4[%add3A_67, %dma_wait3A_586] : memref<16448x1024xf32, #tpu.memory_space<hbm>> -> memref<32x1024xf32, #tpu.memory_space<hbm>>
    %dma_wait3A_588 = arith.constant 0 : i32
    %dma_wait3A_589 = arith.constant 0 : i32
    %dma_wait3A_590 = tpu.memref_slice %arg5[%dma_wait3A_576, %dma_wait3A_588, %dma_wait3A_589] : memref<3x32x1024xf32, #tpu.memory_space<vmem>> -> memref<1x32x1024xf32, #tpu.memory_space<vmem>>
    %dma_wait3A_591 = tpu.memref_squeeze %dma_wait3A_590 : memref<1x32x1024xf32, #tpu.memory_space<vmem>> -> memref<32x1024xf32, #tpu.memory_space<vmem>>
    tpu.wait_dma2 semaphore(%dma_wait3A_585 : memref<!tpu.dma_semaphore, #tpu.memory_space<semaphore_mem>>) src(%dma_wait3A_591 : memref<32x1024xf32, #tpu.memory_space<vmem>>) dst(%dma_wait3A_587 : memref<32x1024xf32, #tpu.memory_space<hbm>>)
    %dma_start3A_592 = arith.constant 0 : i32
    %dma_start3A_593 = arith.constant 0 : i32
    %dma_start3A_594 = arith.constant 0 : i32
    %dma_start3A_595 = arith.constant 0 : i32
    %dma_start3A_596 = tpu.memref_slice %arg5[%dma_start3A_592, %dma_start3A_594, %dma_start3A_595] : memref<3x32x1024xf32, #tpu.memory_space<vmem>> -> memref<1x32x1024xf32, #tpu.memory_space<vmem>>
    %dma_start3A_597 = tpu.memref_squeeze %dma_start3A_596 : memref<1x32x1024xf32, #tpu.memory_space<vmem>> -> memref<32x1024xf32, #tpu.memory_space<vmem>>
    %dma_start3A_598 = arith.constant 0 : i32
    %dma_start3A_599 = tpu.memref_slice %arg2[%add3A_77, %dma_start3A_598] : memref<16384x1024xf32, #tpu.memory_space<hbm>> -> memref<32x1024xf32, #tpu.memory_space<hbm>>
    %dma_start3A_600 = tpu.memref_slice %arg7[%dma_start3A_593] : memref<3x!tpu.dma_semaphore, #tpu.memory_space<semaphore_mem>> -> memref<1x!tpu.dma_semaphore, #tpu.memory_space<semaphore_mem>>
    %dma_start3A_601 = tpu.memref_squeeze %dma_start3A_600 : memref<1x!tpu.dma_semaphore, #tpu.memory_space<semaphore_mem>> -> memref<!tpu.dma_semaphore, #tpu.memory_space<semaphore_mem>>
    %dma_start3A_602 = arith.constant 0 : i32
    %dma_start3A_603 = arith.constant 0 : i32
    %dma_start3A_604 = tpu.memref_slice %arg5[%dma_start3A_592, %dma_start3A_602, %dma_start3A_603] : memref<3x32x1024xf32, #tpu.memory_space<vmem>> -> memref<1x32x1024xf32, #tpu.memory_space<vmem>>
    %dma_start3A_605 = tpu.memref_squeeze %dma_start3A_604 : memref<1x32x1024xf32, #tpu.memory_space<vmem>> -> memref<32x1024xf32, #tpu.memory_space<vmem>>
    %dma_start3A_606 = arith.constant 0 : i32
    %dma_start3A_607 = tpu.memref_slice %arg2[%add3A_77, %dma_start3A_606] : memref<16384x1024xf32, #tpu.memory_space<hbm>> -> memref<32x1024xf32, #tpu.memory_space<hbm>>
    tpu.enqueue_dma source(%dma_start3A_607 : memref<32x1024xf32, #tpu.memory_space<hbm>>) target(%dma_start3A_605 : memref<32x1024xf32, #tpu.memory_space<vmem>>) target_semaphore(%dma_start3A_601 : memref<!tpu.dma_semaphore, #tpu.memory_space<semaphore_mem>>)
    %dma_wait3A_608 = arith.constant 1 : i32
    %dma_wait3A_609 = arith.constant 1 : i32
    %dma_wait3A_610 = arith.constant 0 : i32
    %dma_wait3A_611 = arith.constant 0 : i32
    %dma_wait3A_612 = tpu.memref_slice %arg5[%dma_wait3A_608, %dma_wait3A_610, %dma_wait3A_611] : memref<3x32x1024xf32, #tpu.memory_space<vmem>> -> memref<1x32x1024xf32, #tpu.memory_space<vmem>>
    %dma_wait3A_613 = tpu.memref_squeeze %dma_wait3A_612 : memref<1x32x1024xf32, #tpu.memory_space<vmem>> -> memref<32x1024xf32, #tpu.memory_space<vmem>>
    %dma_wait3A_614 = arith.constant 0 : i32
    %dma_wait3A_615 = tpu.memref_slice %arg2[%add3A_69, %dma_wait3A_614] : memref<16384x1024xf32, #tpu.memory_space<hbm>> -> memref<32x1024xf32, #tpu.memory_space<hbm>>
    %dma_wait3A_616 = tpu.memref_slice %arg7[%dma_wait3A_609] : memref<3x!tpu.dma_semaphore, #tpu.memory_space<semaphore_mem>> -> memref<1x!tpu.dma_semaphore, #tpu.memory_space<semaphore_mem>>
    %dma_wait3A_617 = tpu.memref_squeeze %dma_wait3A_616 : memref<1x!tpu.dma_semaphore, #tpu.memory_space<semaphore_mem>> -> memref<!tpu.dma_semaphore, #tpu.memory_space<semaphore_mem>>
    %dma_wait3A_618 = arith.constant 0 : i32
    %dma_wait3A_619 = arith.constant 0 : i32
    %dma_wait3A_620 = tpu.memref_slice %arg5[%dma_wait3A_608, %dma_wait3A_618, %dma_wait3A_619] : memref<3x32x1024xf32, #tpu.memory_space<vmem>> -> memref<1x32x1024xf32, #tpu.memory_space<vmem>>
    %dma_wait3A_621 = tpu.memref_squeeze %dma_wait3A_620 : memref<1x32x1024xf32, #tpu.memory_space<vmem>> -> memref<32x1024xf32, #tpu.memory_space<vmem>>
    %dma_wait3A_622 = arith.constant 0 : i32
    %dma_wait3A_623 = tpu.memref_slice %arg2[%add3A_69, %dma_wait3A_622] : memref<16384x1024xf32, #tpu.memory_space<hbm>> -> memref<32x1024xf32, #tpu.memory_space<hbm>>
    tpu.wait_dma2 semaphore(%dma_wait3A_617 : memref<!tpu.dma_semaphore, #tpu.memory_space<semaphore_mem>>) src(%dma_wait3A_623 : memref<32x1024xf32, #tpu.memory_space<hbm>>) dst(%dma_wait3A_621 : memref<32x1024xf32, #tpu.memory_space<vmem>>)
    %dma_start3A_624 = arith.constant 1 : i32
    %dma_start3A_625 = arith.constant 1 : i32
    %dma_start3A_626 = arith.constant 0 : i32
    %dma_start3A_627 = arith.constant 0 : i32
    %dma_start3A_628 = tpu.memref_slice %arg5[%dma_start3A_624, %dma_start3A_626, %dma_start3A_627] : memref<3x32x1024xf32, #tpu.memory_space<vmem>> -> memref<1x32x1024xf32, #tpu.memory_space<vmem>>
    %dma_start3A_629 = tpu.memref_squeeze %dma_start3A_628 : memref<1x32x1024xf32, #tpu.memory_space<vmem>> -> memref<32x1024xf32, #tpu.memory_space<vmem>>
    %dma_start3A_630 = arith.constant 0 : i32
    %dma_start3A_631 = tpu.memref_slice %arg4[%add3A_71, %dma_start3A_630] : memref<16448x1024xf32, #tpu.memory_space<hbm>> -> memref<32x1024xf32, #tpu.memory_space<hbm>>
    %dma_start3A_632 = tpu.memref_slice %arg8[%dma_start3A_625] : memref<3x!tpu.dma_semaphore, #tpu.memory_space<semaphore_mem>> -> memref<1x!tpu.dma_semaphore, #tpu.memory_space<semaphore_mem>>
    %dma_start3A_633 = tpu.memref_squeeze %dma_start3A_632 : memref<1x!tpu.dma_semaphore, #tpu.memory_space<semaphore_mem>> -> memref<!tpu.dma_semaphore, #tpu.memory_space<semaphore_mem>>
    %dma_start3A_634 = arith.constant 0 : i32
    %dma_start3A_635 = tpu.memref_slice %arg4[%add3A_71, %dma_start3A_634] : memref<16448x1024xf32, #tpu.memory_space<hbm>> -> memref<32x1024xf32, #tpu.memory_space<hbm>>
    %dma_start3A_636 = arith.constant 0 : i32
    %dma_start3A_637 = arith.constant 0 : i32
    %dma_start3A_638 = tpu.memref_slice %arg5[%dma_start3A_624, %dma_start3A_636, %dma_start3A_637] : memref<3x32x1024xf32, #tpu.memory_space<vmem>> -> memref<1x32x1024xf32, #tpu.memory_space<vmem>>
    %dma_start3A_639 = tpu.memref_squeeze %dma_start3A_638 : memref<1x32x1024xf32, #tpu.memory_space<vmem>> -> memref<32x1024xf32, #tpu.memory_space<vmem>>
    tpu.enqueue_dma source(%dma_start3A_639 : memref<32x1024xf32, #tpu.memory_space<vmem>>) target(%dma_start3A_635 : memref<32x1024xf32, #tpu.memory_space<hbm>>) target_semaphore(%dma_start3A_633 : memref<!tpu.dma_semaphore, #tpu.memory_space<semaphore_mem>>)
    %dma_wait3A_640 = arith.constant 1 : i32
    %dma_wait3A_641 = arith.constant 1 : i32
    %dma_wait3A_642 = arith.constant 0 : i32
    %dma_wait3A_643 = arith.constant 0 : i32
    %dma_wait3A_644 = tpu.memref_slice %arg5[%dma_wait3A_640, %dma_wait3A_642, %dma_wait3A_643] : memref<3x32x1024xf32, #tpu.memory_space<vmem>> -> memref<1x32x1024xf32, #tpu.memory_space<vmem>>
    %dma_wait3A_645 = tpu.memref_squeeze %dma_wait3A_644 : memref<1x32x1024xf32, #tpu.memory_space<vmem>> -> memref<32x1024xf32, #tpu.memory_space<vmem>>
    %dma_wait3A_646 = arith.constant 0 : i32
    %dma_wait3A_647 = tpu.memref_slice %arg4[%add3A_71, %dma_wait3A_646] : memref<16448x1024xf32, #tpu.memory_space<hbm>> -> memref<32x1024xf32, #tpu.memory_space<hbm>>
    %dma_wait3A_648 = tpu.memref_slice %arg8[%dma_wait3A_641] : memref<3x!tpu.dma_semaphore, #tpu.memory_space<semaphore_mem>> -> memref<1x!tpu.dma_semaphore, #tpu.memory_space<semaphore_mem>>
    %dma_wait3A_649 = tpu.memref_squeeze %dma_wait3A_648 : memref<1x!tpu.dma_semaphore, #tpu.memory_space<semaphore_mem>> -> memref<!tpu.dma_semaphore, #tpu.memory_space<semaphore_mem>>
    %dma_wait3A_650 = arith.constant 0 : i32
    %dma_wait3A_651 = tpu.memref_slice %arg4[%add3A_71, %dma_wait3A_650] : memref<16448x1024xf32, #tpu.memory_space<hbm>> -> memref<32x1024xf32, #tpu.memory_space<hbm>>
    %dma_wait3A_652 = arith.constant 0 : i32
    %dma_wait3A_653 = arith.constant 0 : i32
    %dma_wait3A_654 = tpu.memref_slice %arg5[%dma_wait3A_640, %dma_wait3A_652, %dma_wait3A_653] : memref<3x32x1024xf32, #tpu.memory_space<vmem>> -> memref<1x32x1024xf32, #tpu.memory_space<vmem>>
    %dma_wait3A_655 = tpu.memref_squeeze %dma_wait3A_654 : memref<1x32x1024xf32, #tpu.memory_space<vmem>> -> memref<32x1024xf32, #tpu.memory_space<vmem>>
    tpu.wait_dma2 semaphore(%dma_wait3A_649 : memref<!tpu.dma_semaphore, #tpu.memory_space<semaphore_mem>>) src(%dma_wait3A_655 : memref<32x1024xf32, #tpu.memory_space<vmem>>) dst(%dma_wait3A_651 : memref<32x1024xf32, #tpu.memory_space<hbm>>)
    %dma_start3A_656 = arith.constant 1 : i32
    %dma_start3A_657 = arith.constant 1 : i32
    %dma_start3A_658 = arith.constant 0 : i32
    %dma_start3A_659 = arith.constant 0 : i32
    %dma_start3A_660 = tpu.memref_slice %arg5[%dma_start3A_656, %dma_start3A_658, %dma_start3A_659] : memref<3x32x1024xf32, #tpu.memory_space<vmem>> -> memref<1x32x1024xf32, #tpu.memory_space<vmem>>
    %dma_start3A_661 = tpu.memref_squeeze %dma_start3A_660 : memref<1x32x1024xf32, #tpu.memory_space<vmem>> -> memref<32x1024xf32, #tpu.memory_space<vmem>>
    %dma_start3A_662 = arith.constant 0 : i32
    %dma_start3A_663 = tpu.memref_slice %arg2[%add3A_81, %dma_start3A_662] : memref<16384x1024xf32, #tpu.memory_space<hbm>> -> memref<32x1024xf32, #tpu.memory_space<hbm>>
    %dma_start3A_664 = tpu.memref_slice %arg7[%dma_start3A_657] : memref<3x!tpu.dma_semaphore, #tpu.memory_space<semaphore_mem>> -> memref<1x!tpu.dma_semaphore, #tpu.memory_space<semaphore_mem>>
    %dma_start3A_665 = tpu.memref_squeeze %dma_start3A_664 : memref<1x!tpu.dma_semaphore, #tpu.memory_space<semaphore_mem>> -> memref<!tpu.dma_semaphore, #tpu.memory_space<semaphore_mem>>
    %dma_start3A_666 = arith.constant 0 : i32
    %dma_start3A_667 = arith.constant 0 : i32
    %dma_start3A_668 = tpu.memref_slice %arg5[%dma_start3A_656, %dma_start3A_666, %dma_start3A_667] : memref<3x32x1024xf32, #tpu.memory_space<vmem>> -> memref<1x32x1024xf32, #tpu.memory_space<vmem>>
    %dma_start3A_669 = tpu.memref_squeeze %dma_start3A_668 : memref<1x32x1024xf32, #tpu.memory_space<vmem>> -> memref<32x1024xf32, #tpu.memory_space<vmem>>
    %dma_start3A_670 = arith.constant 0 : i32
    %dma_start3A_671 = tpu.memref_slice %arg2[%add3A_81, %dma_start3A_670] : memref<16384x1024xf32, #tpu.memory_space<hbm>> -> memref<32x1024xf32, #tpu.memory_space<hbm>>
    tpu.enqueue_dma source(%dma_start3A_671 : memref<32x1024xf32, #tpu.memory_space<hbm>>) target(%dma_start3A_669 : memref<32x1024xf32, #tpu.memory_space<vmem>>) target_semaphore(%dma_start3A_665 : memref<!tpu.dma_semaphore, #tpu.memory_space<semaphore_mem>>)
    %dma_wait3A_672 = arith.constant 2 : i32
    %dma_wait3A_673 = arith.constant 2 : i32
    %dma_wait3A_674 = arith.constant 0 : i32
    %dma_wait3A_675 = arith.constant 0 : i32
    %dma_wait3A_676 = tpu.memref_slice %arg5[%dma_wait3A_672, %dma_wait3A_674, %dma_wait3A_675] : memref<3x32x1024xf32, #tpu.memory_space<vmem>> -> memref<1x32x1024xf32, #tpu.memory_space<vmem>>
    %dma_wait3A_677 = tpu.memref_squeeze %dma_wait3A_676 : memref<1x32x1024xf32, #tpu.memory_space<vmem>> -> memref<32x1024xf32, #tpu.memory_space<vmem>>
    %dma_wait3A_678 = arith.constant 0 : i32
    %dma_wait3A_679 = tpu.memref_slice %arg2[%add3A_73, %dma_wait3A_678] : memref<16384x1024xf32, #tpu.memory_space<hbm>> -> memref<32x1024xf32, #tpu.memory_space<hbm>>
    %dma_wait3A_680 = tpu.memref_slice %arg7[%dma_wait3A_673] : memref<3x!tpu.dma_semaphore, #tpu.memory_space<semaphore_mem>> -> memref<1x!tpu.dma_semaphore, #tpu.memory_space<semaphore_mem>>
    %dma_wait3A_681 = tpu.memref_squeeze %dma_wait3A_680 : memref<1x!tpu.dma_semaphore, #tpu.memory_space<semaphore_mem>> -> memref<!tpu.dma_semaphore, #tpu.memory_space<semaphore_mem>>
    %dma_wait3A_682 = arith.constant 0 : i32
    %dma_wait3A_683 = arith.constant 0 : i32
    %dma_wait3A_684 = tpu.memref_slice %arg5[%dma_wait3A_672, %dma_wait3A_682, %dma_wait3A_683] : memref<3x32x1024xf32, #tpu.memory_space<vmem>> -> memref<1x32x1024xf32, #tpu.memory_space<vmem>>
    %dma_wait3A_685 = tpu.memref_squeeze %dma_wait3A_684 : memref<1x32x1024xf32, #tpu.memory_space<vmem>> -> memref<32x1024xf32, #tpu.memory_space<vmem>>
    %dma_wait3A_686 = arith.constant 0 : i32
    %dma_wait3A_687 = tpu.memref_slice %arg2[%add3A_73, %dma_wait3A_686] : memref<16384x1024xf32, #tpu.memory_space<hbm>> -> memref<32x1024xf32, #tpu.memory_space<hbm>>
    tpu.wait_dma2 semaphore(%dma_wait3A_681 : memref<!tpu.dma_semaphore, #tpu.memory_space<semaphore_mem>>) src(%dma_wait3A_687 : memref<32x1024xf32, #tpu.memory_space<hbm>>) dst(%dma_wait3A_685 : memref<32x1024xf32, #tpu.memory_space<vmem>>)
    %dma_start3A_688 = arith.constant 2 : i32
    %dma_start3A_689 = arith.constant 2 : i32
    %dma_start3A_690 = arith.constant 0 : i32
    %dma_start3A_691 = arith.constant 0 : i32
    %dma_start3A_692 = tpu.memref_slice %arg5[%dma_start3A_688, %dma_start3A_690, %dma_start3A_691] : memref<3x32x1024xf32, #tpu.memory_space<vmem>> -> memref<1x32x1024xf32, #tpu.memory_space<vmem>>
    %dma_start3A_693 = tpu.memref_squeeze %dma_start3A_692 : memref<1x32x1024xf32, #tpu.memory_space<vmem>> -> memref<32x1024xf32, #tpu.memory_space<vmem>>
    %dma_start3A_694 = arith.constant 0 : i32
    %dma_start3A_695 = tpu.memref_slice %arg4[%add3A_75, %dma_start3A_694] : memref<16448x1024xf32, #tpu.memory_space<hbm>> -> memref<32x1024xf32, #tpu.memory_space<hbm>>
    %dma_start3A_696 = tpu.memref_slice %arg8[%dma_start3A_689] : memref<3x!tpu.dma_semaphore, #tpu.memory_space<semaphore_mem>> -> memref<1x!tpu.dma_semaphore, #tpu.memory_space<semaphore_mem>>
    %dma_start3A_697 = tpu.memref_squeeze %dma_start3A_696 : memref<1x!tpu.dma_semaphore, #tpu.memory_space<semaphore_mem>> -> memref<!tpu.dma_semaphore, #tpu.memory_space<semaphore_mem>>
    %dma_start3A_698 = arith.constant 0 : i32
    %dma_start3A_699 = tpu.memref_slice %arg4[%add3A_75, %dma_start3A_698] : memref<16448x1024xf32, #tpu.memory_space<hbm>> -> memref<32x1024xf32, #tpu.memory_space<hbm>>
    %dma_start3A_700 = arith.constant 0 : i32
    %dma_start3A_701 = arith.constant 0 : i32
    %dma_start3A_702 = tpu.memref_slice %arg5[%dma_start3A_688, %dma_start3A_700, %dma_start3A_701] : memref<3x32x1024xf32, #tpu.memory_space<vmem>> -> memref<1x32x1024xf32, #tpu.memory_space<vmem>>
    %dma_start3A_703 = tpu.memref_squeeze %dma_start3A_702 : memref<1x32x1024xf32, #tpu.memory_space<vmem>> -> memref<32x1024xf32, #tpu.memory_space<vmem>>
    tpu.enqueue_dma source(%dma_start3A_703 : memref<32x1024xf32, #tpu.memory_space<vmem>>) target(%dma_start3A_699 : memref<32x1024xf32, #tpu.memory_space<hbm>>) target_semaphore(%dma_start3A_697 : memref<!tpu.dma_semaphore, #tpu.memory_space<semaphore_mem>>)
    %dma_wait3A_704 = arith.constant 2 : i32
    %dma_wait3A_705 = arith.constant 2 : i32
    %dma_wait3A_706 = arith.constant 0 : i32
    %dma_wait3A_707 = arith.constant 0 : i32
    %dma_wait3A_708 = tpu.memref_slice %arg5[%dma_wait3A_704, %dma_wait3A_706, %dma_wait3A_707] : memref<3x32x1024xf32, #tpu.memory_space<vmem>> -> memref<1x32x1024xf32, #tpu.memory_space<vmem>>
    %dma_wait3A_709 = tpu.memref_squeeze %dma_wait3A_708 : memref<1x32x1024xf32, #tpu.memory_space<vmem>> -> memref<32x1024xf32, #tpu.memory_space<vmem>>
    %dma_wait3A_710 = arith.constant 0 : i32
    %dma_wait3A_711 = tpu.memref_slice %arg4[%add3A_75, %dma_wait3A_710] : memref<16448x1024xf32, #tpu.memory_space<hbm>> -> memref<32x1024xf32, #tpu.memory_space<hbm>>
    %dma_wait3A_712 = tpu.memref_slice %arg8[%dma_wait3A_705] : memref<3x!tpu.dma_semaphore, #tpu.memory_space<semaphore_mem>> -> memref<1x!tpu.dma_semaphore, #tpu.memory_space<semaphore_mem>>
    %dma_wait3A_713 = tpu.memref_squeeze %dma_wait3A_712 : memref<1x!tpu.dma_semaphore, #tpu.memory_space<semaphore_mem>> -> memref<!tpu.dma_semaphore, #tpu.memory_space<semaphore_mem>>
    %dma_wait3A_714 = arith.constant 0 : i32
    %dma_wait3A_715 = tpu.memref_slice %arg4[%add3A_75, %dma_wait3A_714] : memref<16448x1024xf32, #tpu.memory_space<hbm>> -> memref<32x1024xf32, #tpu.memory_space<hbm>>
    %dma_wait3A_716 = arith.constant 0 : i32
    %dma_wait3A_717 = arith.constant 0 : i32
    %dma_wait3A_718 = tpu.memref_slice %arg5[%dma_wait3A_704, %dma_wait3A_716, %dma_wait3A_717] : memref<3x32x1024xf32, #tpu.memory_space<vmem>> -> memref<1x32x1024xf32, #tpu.memory_space<vmem>>
    %dma_wait3A_719 = tpu.memref_squeeze %dma_wait3A_718 : memref<1x32x1024xf32, #tpu.memory_space<vmem>> -> memref<32x1024xf32, #tpu.memory_space<vmem>>
    tpu.wait_dma2 semaphore(%dma_wait3A_713 : memref<!tpu.dma_semaphore, #tpu.memory_space<semaphore_mem>>) src(%dma_wait3A_719 : memref<32x1024xf32, #tpu.memory_space<vmem>>) dst(%dma_wait3A_715 : memref<32x1024xf32, #tpu.memory_space<hbm>>)
    %dma_start3A_720 = arith.constant 2 : i32
    %dma_start3A_721 = arith.constant 2 : i32
    %dma_start3A_722 = arith.constant 0 : i32
    %dma_start3A_723 = arith.constant 0 : i32
    %dma_start3A_724 = tpu.memref_slice %arg5[%dma_start3A_720, %dma_start3A_722, %dma_start3A_723] : memref<3x32x1024xf32, #tpu.memory_space<vmem>> -> memref<1x32x1024xf32, #tpu.memory_space<vmem>>
    %dma_start3A_725 = tpu.memref_squeeze %dma_start3A_724 : memref<1x32x1024xf32, #tpu.memory_space<vmem>> -> memref<32x1024xf32, #tpu.memory_space<vmem>>
    %dma_start3A_726 = arith.constant 0 : i32
    %dma_start3A_727 = tpu.memref_slice %arg2[%add3A_85, %dma_start3A_726] : memref<16384x1024xf32, #tpu.memory_space<hbm>> -> memref<32x1024xf32, #tpu.memory_space<hbm>>
    %dma_start3A_728 = tpu.memref_slice %arg7[%dma_start3A_721] : memref<3x!tpu.dma_semaphore, #tpu.memory_space<semaphore_mem>> -> memref<1x!tpu.dma_semaphore, #tpu.memory_space<semaphore_mem>>
    %dma_start3A_729 = tpu.memref_squeeze %dma_start3A_728 : memref<1x!tpu.dma_semaphore, #tpu.memory_space<semaphore_mem>> -> memref<!tpu.dma_semaphore, #tpu.memory_space<semaphore_mem>>
    %dma_start3A_730 = arith.constant 0 : i32
    %dma_start3A_731 = arith.constant 0 : i32
    %dma_start3A_732 = tpu.memref_slice %arg5[%dma_start3A_720, %dma_start3A_730, %dma_start3A_731] : memref<3x32x1024xf32, #tpu.memory_space<vmem>> -> memref<1x32x1024xf32, #tpu.memory_space<vmem>>
    %dma_start3A_733 = tpu.memref_squeeze %dma_start3A_732 : memref<1x32x1024xf32, #tpu.memory_space<vmem>> -> memref<32x1024xf32, #tpu.memory_space<vmem>>
    %dma_start3A_734 = arith.constant 0 : i32
    %dma_start3A_735 = tpu.memref_slice %arg2[%add3A_85, %dma_start3A_734] : memref<16384x1024xf32, #tpu.memory_space<hbm>> -> memref<32x1024xf32, #tpu.memory_space<hbm>>
    tpu.enqueue_dma source(%dma_start3A_735 : memref<32x1024xf32, #tpu.memory_space<hbm>>) target(%dma_start3A_733 : memref<32x1024xf32, #tpu.memory_space<vmem>>) target_semaphore(%dma_start3A_729 : memref<!tpu.dma_semaphore, #tpu.memory_space<semaphore_mem>>)
    %dma_wait3A_736 = arith.constant 0 : i32
    %dma_wait3A_737 = arith.constant 0 : i32
    %dma_wait3A_738 = arith.constant 0 : i32
    %dma_wait3A_739 = arith.constant 0 : i32
    %dma_wait3A_740 = tpu.memref_slice %arg5[%dma_wait3A_736, %dma_wait3A_738, %dma_wait3A_739] : memref<3x32x1024xf32, #tpu.memory_space<vmem>> -> memref<1x32x1024xf32, #tpu.memory_space<vmem>>
    %dma_wait3A_741 = tpu.memref_squeeze %dma_wait3A_740 : memref<1x32x1024xf32, #tpu.memory_space<vmem>> -> memref<32x1024xf32, #tpu.memory_space<vmem>>
    %dma_wait3A_742 = arith.constant 0 : i32
    %dma_wait3A_743 = tpu.memref_slice %arg2[%add3A_77, %dma_wait3A_742] : memref<16384x1024xf32, #tpu.memory_space<hbm>> -> memref<32x1024xf32, #tpu.memory_space<hbm>>
    %dma_wait3A_744 = tpu.memref_slice %arg7[%dma_wait3A_737] : memref<3x!tpu.dma_semaphore, #tpu.memory_space<semaphore_mem>> -> memref<1x!tpu.dma_semaphore, #tpu.memory_space<semaphore_mem>>
    %dma_wait3A_745 = tpu.memref_squeeze %dma_wait3A_744 : memref<1x!tpu.dma_semaphore, #tpu.memory_space<semaphore_mem>> -> memref<!tpu.dma_semaphore, #tpu.memory_space<semaphore_mem>>
    %dma_wait3A_746 = arith.constant 0 : i32
    %dma_wait3A_747 = arith.constant 0 : i32
    %dma_wait3A_748 = tpu.memref_slice %arg5[%dma_wait3A_736, %dma_wait3A_746, %dma_wait3A_747] : memref<3x32x1024xf32, #tpu.memory_space<vmem>> -> memref<1x32x1024xf32, #tpu.memory_space<vmem>>
    %dma_wait3A_749 = tpu.memref_squeeze %dma_wait3A_748 : memref<1x32x1024xf32, #tpu.memory_space<vmem>> -> memref<32x1024xf32, #tpu.memory_space<vmem>>
    %dma_wait3A_750 = arith.constant 0 : i32
    %dma_wait3A_751 = tpu.memref_slice %arg2[%add3A_77, %dma_wait3A_750] : memref<16384x1024xf32, #tpu.memory_space<hbm>> -> memref<32x1024xf32, #tpu.memory_space<hbm>>
    tpu.wait_dma2 semaphore(%dma_wait3A_745 : memref<!tpu.dma_semaphore, #tpu.memory_space<semaphore_mem>>) src(%dma_wait3A_751 : memref<32x1024xf32, #tpu.memory_space<hbm>>) dst(%dma_wait3A_749 : memref<32x1024xf32, #tpu.memory_space<vmem>>)
    %dma_start3A_752 = arith.constant 0 : i32
    %dma_start3A_753 = arith.constant 0 : i32
    %dma_start3A_754 = arith.constant 0 : i32
    %dma_start3A_755 = arith.constant 0 : i32
    %dma_start3A_756 = tpu.memref_slice %arg5[%dma_start3A_752, %dma_start3A_754, %dma_start3A_755] : memref<3x32x1024xf32, #tpu.memory_space<vmem>> -> memref<1x32x1024xf32, #tpu.memory_space<vmem>>
    %dma_start3A_757 = tpu.memref_squeeze %dma_start3A_756 : memref<1x32x1024xf32, #tpu.memory_space<vmem>> -> memref<32x1024xf32, #tpu.memory_space<vmem>>
    %dma_start3A_758 = arith.constant 0 : i32
    %dma_start3A_759 = tpu.memref_slice %arg4[%add3A_79, %dma_start3A_758] : memref<16448x1024xf32, #tpu.memory_space<hbm>> -> memref<32x1024xf32, #tpu.memory_space<hbm>>
    %dma_start3A_760 = tpu.memref_slice %arg8[%dma_start3A_753] : memref<3x!tpu.dma_semaphore, #tpu.memory_space<semaphore_mem>> -> memref<1x!tpu.dma_semaphore, #tpu.memory_space<semaphore_mem>>
    %dma_start3A_761 = tpu.memref_squeeze %dma_start3A_760 : memref<1x!tpu.dma_semaphore, #tpu.memory_space<semaphore_mem>> -> memref<!tpu.dma_semaphore, #tpu.memory_space<semaphore_mem>>
    %dma_start3A_762 = arith.constant 0 : i32
    %dma_start3A_763 = tpu.memref_slice %arg4[%add3A_79, %dma_start3A_762] : memref<16448x1024xf32, #tpu.memory_space<hbm>> -> memref<32x1024xf32, #tpu.memory_space<hbm>>
    %dma_start3A_764 = arith.constant 0 : i32
    %dma_start3A_765 = arith.constant 0 : i32
    %dma_start3A_766 = tpu.memref_slice %arg5[%dma_start3A_752, %dma_start3A_764, %dma_start3A_765] : memref<3x32x1024xf32, #tpu.memory_space<vmem>> -> memref<1x32x1024xf32, #tpu.memory_space<vmem>>
    %dma_start3A_767 = tpu.memref_squeeze %dma_start3A_766 : memref<1x32x1024xf32, #tpu.memory_space<vmem>> -> memref<32x1024xf32, #tpu.memory_space<vmem>>
    tpu.enqueue_dma source(%dma_start3A_767 : memref<32x1024xf32, #tpu.memory_space<vmem>>) target(%dma_start3A_763 : memref<32x1024xf32, #tpu.memory_space<hbm>>) target_semaphore(%dma_start3A_761 : memref<!tpu.dma_semaphore, #tpu.memory_space<semaphore_mem>>)
    %dma_wait3A_768 = arith.constant 0 : i32
    %dma_wait3A_769 = arith.constant 0 : i32
    %dma_wait3A_770 = arith.constant 0 : i32
    %dma_wait3A_771 = arith.constant 0 : i32
    %dma_wait3A_772 = tpu.memref_slice %arg5[%dma_wait3A_768, %dma_wait3A_770, %dma_wait3A_771] : memref<3x32x1024xf32, #tpu.memory_space<vmem>> -> memref<1x32x1024xf32, #tpu.memory_space<vmem>>
    %dma_wait3A_773 = tpu.memref_squeeze %dma_wait3A_772 : memref<1x32x1024xf32, #tpu.memory_space<vmem>> -> memref<32x1024xf32, #tpu.memory_space<vmem>>
    %dma_wait3A_774 = arith.constant 0 : i32
    %dma_wait3A_775 = tpu.memref_slice %arg4[%add3A_79, %dma_wait3A_774] : memref<16448x1024xf32, #tpu.memory_space<hbm>> -> memref<32x1024xf32, #tpu.memory_space<hbm>>
    %dma_wait3A_776 = tpu.memref_slice %arg8[%dma_wait3A_769] : memref<3x!tpu.dma_semaphore, #tpu.memory_space<semaphore_mem>> -> memref<1x!tpu.dma_semaphore, #tpu.memory_space<semaphore_mem>>
    %dma_wait3A_777 = tpu.memref_squeeze %dma_wait3A_776 : memref<1x!tpu.dma_semaphore, #tpu.memory_space<semaphore_mem>> -> memref<!tpu.dma_semaphore, #tpu.memory_space<semaphore_mem>>
    %dma_wait3A_778 = arith.constant 0 : i32
    %dma_wait3A_779 = tpu.memref_slice %arg4[%add3A_79, %dma_wait3A_778] : memref<16448x1024xf32, #tpu.memory_space<hbm>> -> memref<32x1024xf32, #tpu.memory_space<hbm>>
    %dma_wait3A_780 = arith.constant 0 : i32
    %dma_wait3A_781 = arith.constant 0 : i32
    %dma_wait3A_782 = tpu.memref_slice %arg5[%dma_wait3A_768, %dma_wait3A_780, %dma_wait3A_781] : memref<3x32x1024xf32, #tpu.memory_space<vmem>> -> memref<1x32x1024xf32, #tpu.memory_space<vmem>>
    %dma_wait3A_783 = tpu.memref_squeeze %dma_wait3A_782 : memref<1x32x1024xf32, #tpu.memory_space<vmem>> -> memref<32x1024xf32, #tpu.memory_space<vmem>>
    tpu.wait_dma2 semaphore(%dma_wait3A_777 : memref<!tpu.dma_semaphore, #tpu.memory_space<semaphore_mem>>) src(%dma_wait3A_783 : memref<32x1024xf32, #tpu.memory_space<vmem>>) dst(%dma_wait3A_779 : memref<32x1024xf32, #tpu.memory_space<hbm>>)
    %dma_start3A_784 = arith.constant 0 : i32
    %dma_start3A_785 = arith.constant 0 : i32
    %dma_start3A_786 = arith.constant 0 : i32
    %dma_start3A_787 = arith.constant 0 : i32
    %dma_start3A_788 = tpu.memref_slice %arg5[%dma_start3A_784, %dma_start3A_786, %dma_start3A_787] : memref<3x32x1024xf32, #tpu.memory_space<vmem>> -> memref<1x32x1024xf32, #tpu.memory_space<vmem>>
    %dma_start3A_789 = tpu.memref_squeeze %dma_start3A_788 : memref<1x32x1024xf32, #tpu.memory_space<vmem>> -> memref<32x1024xf32, #tpu.memory_space<vmem>>
    %dma_start3A_790 = arith.constant 0 : i32
    %dma_start3A_791 = tpu.memref_slice %arg2[%add3A_89, %dma_start3A_790] : memref<16384x1024xf32, #tpu.memory_space<hbm>> -> memref<32x1024xf32, #tpu.memory_space<hbm>>
    %dma_start3A_792 = tpu.memref_slice %arg7[%dma_start3A_785] : memref<3x!tpu.dma_semaphore, #tpu.memory_space<semaphore_mem>> -> memref<1x!tpu.dma_semaphore, #tpu.memory_space<semaphore_mem>>
    %dma_start3A_793 = tpu.memref_squeeze %dma_start3A_792 : memref<1x!tpu.dma_semaphore, #tpu.memory_space<semaphore_mem>> -> memref<!tpu.dma_semaphore, #tpu.memory_space<semaphore_mem>>
    %dma_start3A_794 = arith.constant 0 : i32
    %dma_start3A_795 = arith.constant 0 : i32
    %dma_start3A_796 = tpu.memref_slice %arg5[%dma_start3A_784, %dma_start3A_794, %dma_start3A_795] : memref<3x32x1024xf32, #tpu.memory_space<vmem>> -> memref<1x32x1024xf32, #tpu.memory_space<vmem>>
    %dma_start3A_797 = tpu.memref_squeeze %dma_start3A_796 : memref<1x32x1024xf32, #tpu.memory_space<vmem>> -> memref<32x1024xf32, #tpu.memory_space<vmem>>
    %dma_start3A_798 = arith.constant 0 : i32
    %dma_start3A_799 = tpu.memref_slice %arg2[%add3A_89, %dma_start3A_798] : memref<16384x1024xf32, #tpu.memory_space<hbm>> -> memref<32x1024xf32, #tpu.memory_space<hbm>>
    tpu.enqueue_dma source(%dma_start3A_799 : memref<32x1024xf32, #tpu.memory_space<hbm>>) target(%dma_start3A_797 : memref<32x1024xf32, #tpu.memory_space<vmem>>) target_semaphore(%dma_start3A_793 : memref<!tpu.dma_semaphore, #tpu.memory_space<semaphore_mem>>)
    %dma_wait3A_800 = arith.constant 1 : i32
    %dma_wait3A_801 = arith.constant 1 : i32
    %dma_wait3A_802 = arith.constant 0 : i32
    %dma_wait3A_803 = arith.constant 0 : i32
    %dma_wait3A_804 = tpu.memref_slice %arg5[%dma_wait3A_800, %dma_wait3A_802, %dma_wait3A_803] : memref<3x32x1024xf32, #tpu.memory_space<vmem>> -> memref<1x32x1024xf32, #tpu.memory_space<vmem>>
    %dma_wait3A_805 = tpu.memref_squeeze %dma_wait3A_804 : memref<1x32x1024xf32, #tpu.memory_space<vmem>> -> memref<32x1024xf32, #tpu.memory_space<vmem>>
    %dma_wait3A_806 = arith.constant 0 : i32
    %dma_wait3A_807 = tpu.memref_slice %arg2[%add3A_81, %dma_wait3A_806] : memref<16384x1024xf32, #tpu.memory_space<hbm>> -> memref<32x1024xf32, #tpu.memory_space<hbm>>
    %dma_wait3A_808 = tpu.memref_slice %arg7[%dma_wait3A_801] : memref<3x!tpu.dma_semaphore, #tpu.memory_space<semaphore_mem>> -> memref<1x!tpu.dma_semaphore, #tpu.memory_space<semaphore_mem>>
    %dma_wait3A_809 = tpu.memref_squeeze %dma_wait3A_808 : memref<1x!tpu.dma_semaphore, #tpu.memory_space<semaphore_mem>> -> memref<!tpu.dma_semaphore, #tpu.memory_space<semaphore_mem>>
    %dma_wait3A_810 = arith.constant 0 : i32
    %dma_wait3A_811 = arith.constant 0 : i32
    %dma_wait3A_812 = tpu.memref_slice %arg5[%dma_wait3A_800, %dma_wait3A_810, %dma_wait3A_811] : memref<3x32x1024xf32, #tpu.memory_space<vmem>> -> memref<1x32x1024xf32, #tpu.memory_space<vmem>>
    %dma_wait3A_813 = tpu.memref_squeeze %dma_wait3A_812 : memref<1x32x1024xf32, #tpu.memory_space<vmem>> -> memref<32x1024xf32, #tpu.memory_space<vmem>>
    %dma_wait3A_814 = arith.constant 0 : i32
    %dma_wait3A_815 = tpu.memref_slice %arg2[%add3A_81, %dma_wait3A_814] : memref<16384x1024xf32, #tpu.memory_space<hbm>> -> memref<32x1024xf32, #tpu.memory_space<hbm>>
    tpu.wait_dma2 semaphore(%dma_wait3A_809 : memref<!tpu.dma_semaphore, #tpu.memory_space<semaphore_mem>>) src(%dma_wait3A_815 : memref<32x1024xf32, #tpu.memory_space<hbm>>) dst(%dma_wait3A_813 : memref<32x1024xf32, #tpu.memory_space<vmem>>)
    %dma_start3A_816 = arith.constant 1 : i32
    %dma_start3A_817 = arith.constant 1 : i32
    %dma_start3A_818 = arith.constant 0 : i32
    %dma_start3A_819 = arith.constant 0 : i32
    %dma_start3A_820 = tpu.memref_slice %arg5[%dma_start3A_816, %dma_start3A_818, %dma_start3A_819] : memref<3x32x1024xf32, #tpu.memory_space<vmem>> -> memref<1x32x1024xf32, #tpu.memory_space<vmem>>
    %dma_start3A_821 = tpu.memref_squeeze %dma_start3A_820 : memref<1x32x1024xf32, #tpu.memory_space<vmem>> -> memref<32x1024xf32, #tpu.memory_space<vmem>>
    %dma_start3A_822 = arith.constant 0 : i32
    %dma_start3A_823 = tpu.memref_slice %arg4[%add3A_83, %dma_start3A_822] : memref<16448x1024xf32, #tpu.memory_space<hbm>> -> memref<32x1024xf32, #tpu.memory_space<hbm>>
    %dma_start3A_824 = tpu.memref_slice %arg8[%dma_start3A_817] : memref<3x!tpu.dma_semaphore, #tpu.memory_space<semaphore_mem>> -> memref<1x!tpu.dma_semaphore, #tpu.memory_space<semaphore_mem>>
    %dma_start3A_825 = tpu.memref_squeeze %dma_start3A_824 : memref<1x!tpu.dma_semaphore, #tpu.memory_space<semaphore_mem>> -> memref<!tpu.dma_semaphore, #tpu.memory_space<semaphore_mem>>
    %dma_start3A_826 = arith.constant 0 : i32
    %dma_start3A_827 = tpu.memref_slice %arg4[%add3A_83, %dma_start3A_826] : memref<16448x1024xf32, #tpu.memory_space<hbm>> -> memref<32x1024xf32, #tpu.memory_space<hbm>>
    %dma_start3A_828 = arith.constant 0 : i32
    %dma_start3A_829 = arith.constant 0 : i32
    %dma_start3A_830 = tpu.memref_slice %arg5[%dma_start3A_816, %dma_start3A_828, %dma_start3A_829] : memref<3x32x1024xf32, #tpu.memory_space<vmem>> -> memref<1x32x1024xf32, #tpu.memory_space<vmem>>
    %dma_start3A_831 = tpu.memref_squeeze %dma_start3A_830 : memref<1x32x1024xf32, #tpu.memory_space<vmem>> -> memref<32x1024xf32, #tpu.memory_space<vmem>>
    tpu.enqueue_dma source(%dma_start3A_831 : memref<32x1024xf32, #tpu.memory_space<vmem>>) target(%dma_start3A_827 : memref<32x1024xf32, #tpu.memory_space<hbm>>) target_semaphore(%dma_start3A_825 : memref<!tpu.dma_semaphore, #tpu.memory_space<semaphore_mem>>)
    %dma_wait3A_832 = arith.constant 1 : i32
    %dma_wait3A_833 = arith.constant 1 : i32
    %dma_wait3A_834 = arith.constant 0 : i32
    %dma_wait3A_835 = arith.constant 0 : i32
    %dma_wait3A_836 = tpu.memref_slice %arg5[%dma_wait3A_832, %dma_wait3A_834, %dma_wait3A_835] : memref<3x32x1024xf32, #tpu.memory_space<vmem>> -> memref<1x32x1024xf32, #tpu.memory_space<vmem>>
    %dma_wait3A_837 = tpu.memref_squeeze %dma_wait3A_836 : memref<1x32x1024xf32, #tpu.memory_space<vmem>> -> memref<32x1024xf32, #tpu.memory_space<vmem>>
    %dma_wait3A_838 = arith.constant 0 : i32
    %dma_wait3A_839 = tpu.memref_slice %arg4[%add3A_83, %dma_wait3A_838] : memref<16448x1024xf32, #tpu.memory_space<hbm>> -> memref<32x1024xf32, #tpu.memory_space<hbm>>
    %dma_wait3A_840 = tpu.memref_slice %arg8[%dma_wait3A_833] : memref<3x!tpu.dma_semaphore, #tpu.memory_space<semaphore_mem>> -> memref<1x!tpu.dma_semaphore, #tpu.memory_space<semaphore_mem>>
    %dma_wait3A_841 = tpu.memref_squeeze %dma_wait3A_840 : memref<1x!tpu.dma_semaphore, #tpu.memory_space<semaphore_mem>> -> memref<!tpu.dma_semaphore, #tpu.memory_space<semaphore_mem>>
    %dma_wait3A_842 = arith.constant 0 : i32
    %dma_wait3A_843 = tpu.memref_slice %arg4[%add3A_83, %dma_wait3A_842] : memref<16448x1024xf32, #tpu.memory_space<hbm>> -> memref<32x1024xf32, #tpu.memory_space<hbm>>
    %dma_wait3A_844 = arith.constant 0 : i32
    %dma_wait3A_845 = arith.constant 0 : i32
    %dma_wait3A_846 = tpu.memref_slice %arg5[%dma_wait3A_832, %dma_wait3A_844, %dma_wait3A_845] : memref<3x32x1024xf32, #tpu.memory_space<vmem>> -> memref<1x32x1024xf32, #tpu.memory_space<vmem>>
    %dma_wait3A_847 = tpu.memref_squeeze %dma_wait3A_846 : memref<1x32x1024xf32, #tpu.memory_space<vmem>> -> memref<32x1024xf32, #tpu.memory_space<vmem>>
    tpu.wait_dma2 semaphore(%dma_wait3A_841 : memref<!tpu.dma_semaphore, #tpu.memory_space<semaphore_mem>>) src(%dma_wait3A_847 : memref<32x1024xf32, #tpu.memory_space<vmem>>) dst(%dma_wait3A_843 : memref<32x1024xf32, #tpu.memory_space<hbm>>)
    %dma_start3A_848 = arith.constant 1 : i32
    %dma_start3A_849 = arith.constant 1 : i32
    %dma_start3A_850 = arith.constant 0 : i32
    %dma_start3A_851 = arith.constant 0 : i32
    %dma_start3A_852 = tpu.memref_slice %arg5[%dma_start3A_848, %dma_start3A_850, %dma_start3A_851] : memref<3x32x1024xf32, #tpu.memory_space<vmem>> -> memref<1x32x1024xf32, #tpu.memory_space<vmem>>
    %dma_start3A_853 = tpu.memref_squeeze %dma_start3A_852 : memref<1x32x1024xf32, #tpu.memory_space<vmem>> -> memref<32x1024xf32, #tpu.memory_space<vmem>>
    %dma_start3A_854 = arith.constant 0 : i32
    %dma_start3A_855 = tpu.memref_slice %arg2[%add3A_93, %dma_start3A_854] : memref<16384x1024xf32, #tpu.memory_space<hbm>> -> memref<32x1024xf32, #tpu.memory_space<hbm>>
    %dma_start3A_856 = tpu.memref_slice %arg7[%dma_start3A_849] : memref<3x!tpu.dma_semaphore, #tpu.memory_space<semaphore_mem>> -> memref<1x!tpu.dma_semaphore, #tpu.memory_space<semaphore_mem>>
    %dma_start3A_857 = tpu.memref_squeeze %dma_start3A_856 : memref<1x!tpu.dma_semaphore, #tpu.memory_space<semaphore_mem>> -> memref<!tpu.dma_semaphore, #tpu.memory_space<semaphore_mem>>
    %dma_start3A_858 = arith.constant 0 : i32
    %dma_start3A_859 = arith.constant 0 : i32
    %dma_start3A_860 = tpu.memref_slice %arg5[%dma_start3A_848, %dma_start3A_858, %dma_start3A_859] : memref<3x32x1024xf32, #tpu.memory_space<vmem>> -> memref<1x32x1024xf32, #tpu.memory_space<vmem>>
    %dma_start3A_861 = tpu.memref_squeeze %dma_start3A_860 : memref<1x32x1024xf32, #tpu.memory_space<vmem>> -> memref<32x1024xf32, #tpu.memory_space<vmem>>
    %dma_start3A_862 = arith.constant 0 : i32
    %dma_start3A_863 = tpu.memref_slice %arg2[%add3A_93, %dma_start3A_862] : memref<16384x1024xf32, #tpu.memory_space<hbm>> -> memref<32x1024xf32, #tpu.memory_space<hbm>>
    tpu.enqueue_dma source(%dma_start3A_863 : memref<32x1024xf32, #tpu.memory_space<hbm>>) target(%dma_start3A_861 : memref<32x1024xf32, #tpu.memory_space<vmem>>) target_semaphore(%dma_start3A_857 : memref<!tpu.dma_semaphore, #tpu.memory_space<semaphore_mem>>)
    %dma_wait3A_864 = arith.constant 2 : i32
    %dma_wait3A_865 = arith.constant 2 : i32
    %dma_wait3A_866 = arith.constant 0 : i32
    %dma_wait3A_867 = arith.constant 0 : i32
    %dma_wait3A_868 = tpu.memref_slice %arg5[%dma_wait3A_864, %dma_wait3A_866, %dma_wait3A_867] : memref<3x32x1024xf32, #tpu.memory_space<vmem>> -> memref<1x32x1024xf32, #tpu.memory_space<vmem>>
    %dma_wait3A_869 = tpu.memref_squeeze %dma_wait3A_868 : memref<1x32x1024xf32, #tpu.memory_space<vmem>> -> memref<32x1024xf32, #tpu.memory_space<vmem>>
    %dma_wait3A_870 = arith.constant 0 : i32
    %dma_wait3A_871 = tpu.memref_slice %arg2[%add3A_85, %dma_wait3A_870] : memref<16384x1024xf32, #tpu.memory_space<hbm>> -> memref<32x1024xf32, #tpu.memory_space<hbm>>
    %dma_wait3A_872 = tpu.memref_slice %arg7[%dma_wait3A_865] : memref<3x!tpu.dma_semaphore, #tpu.memory_space<semaphore_mem>> -> memref<1x!tpu.dma_semaphore, #tpu.memory_space<semaphore_mem>>
    %dma_wait3A_873 = tpu.memref_squeeze %dma_wait3A_872 : memref<1x!tpu.dma_semaphore, #tpu.memory_space<semaphore_mem>> -> memref<!tpu.dma_semaphore, #tpu.memory_space<semaphore_mem>>
    %dma_wait3A_874 = arith.constant 0 : i32
    %dma_wait3A_875 = arith.constant 0 : i32
    %dma_wait3A_876 = tpu.memref_slice %arg5[%dma_wait3A_864, %dma_wait3A_874, %dma_wait3A_875] : memref<3x32x1024xf32, #tpu.memory_space<vmem>> -> memref<1x32x1024xf32, #tpu.memory_space<vmem>>
    %dma_wait3A_877 = tpu.memref_squeeze %dma_wait3A_876 : memref<1x32x1024xf32, #tpu.memory_space<vmem>> -> memref<32x1024xf32, #tpu.memory_space<vmem>>
    %dma_wait3A_878 = arith.constant 0 : i32
    %dma_wait3A_879 = tpu.memref_slice %arg2[%add3A_85, %dma_wait3A_878] : memref<16384x1024xf32, #tpu.memory_space<hbm>> -> memref<32x1024xf32, #tpu.memory_space<hbm>>
    tpu.wait_dma2 semaphore(%dma_wait3A_873 : memref<!tpu.dma_semaphore, #tpu.memory_space<semaphore_mem>>) src(%dma_wait3A_879 : memref<32x1024xf32, #tpu.memory_space<hbm>>) dst(%dma_wait3A_877 : memref<32x1024xf32, #tpu.memory_space<vmem>>)
    %dma_start3A_880 = arith.constant 2 : i32
    %dma_start3A_881 = arith.constant 2 : i32
    %dma_start3A_882 = arith.constant 0 : i32
    %dma_start3A_883 = arith.constant 0 : i32
    %dma_start3A_884 = tpu.memref_slice %arg5[%dma_start3A_880, %dma_start3A_882, %dma_start3A_883] : memref<3x32x1024xf32, #tpu.memory_space<vmem>> -> memref<1x32x1024xf32, #tpu.memory_space<vmem>>
    %dma_start3A_885 = tpu.memref_squeeze %dma_start3A_884 : memref<1x32x1024xf32, #tpu.memory_space<vmem>> -> memref<32x1024xf32, #tpu.memory_space<vmem>>
    %dma_start3A_886 = arith.constant 0 : i32
    %dma_start3A_887 = tpu.memref_slice %arg4[%add3A_87, %dma_start3A_886] : memref<16448x1024xf32, #tpu.memory_space<hbm>> -> memref<32x1024xf32, #tpu.memory_space<hbm>>
    %dma_start3A_888 = tpu.memref_slice %arg8[%dma_start3A_881] : memref<3x!tpu.dma_semaphore, #tpu.memory_space<semaphore_mem>> -> memref<1x!tpu.dma_semaphore, #tpu.memory_space<semaphore_mem>>
    %dma_start3A_889 = tpu.memref_squeeze %dma_start3A_888 : memref<1x!tpu.dma_semaphore, #tpu.memory_space<semaphore_mem>> -> memref<!tpu.dma_semaphore, #tpu.memory_space<semaphore_mem>>
    %dma_start3A_890 = arith.constant 0 : i32
    %dma_start3A_891 = tpu.memref_slice %arg4[%add3A_87, %dma_start3A_890] : memref<16448x1024xf32, #tpu.memory_space<hbm>> -> memref<32x1024xf32, #tpu.memory_space<hbm>>
    %dma_start3A_892 = arith.constant 0 : i32
    %dma_start3A_893 = arith.constant 0 : i32
    %dma_start3A_894 = tpu.memref_slice %arg5[%dma_start3A_880, %dma_start3A_892, %dma_start3A_893] : memref<3x32x1024xf32, #tpu.memory_space<vmem>> -> memref<1x32x1024xf32, #tpu.memory_space<vmem>>
    %dma_start3A_895 = tpu.memref_squeeze %dma_start3A_894 : memref<1x32x1024xf32, #tpu.memory_space<vmem>> -> memref<32x1024xf32, #tpu.memory_space<vmem>>
    tpu.enqueue_dma source(%dma_start3A_895 : memref<32x1024xf32, #tpu.memory_space<vmem>>) target(%dma_start3A_891 : memref<32x1024xf32, #tpu.memory_space<hbm>>) target_semaphore(%dma_start3A_889 : memref<!tpu.dma_semaphore, #tpu.memory_space<semaphore_mem>>)
    %dma_wait3A_896 = arith.constant 2 : i32
    %dma_wait3A_897 = arith.constant 2 : i32
    %dma_wait3A_898 = arith.constant 0 : i32
    %dma_wait3A_899 = arith.constant 0 : i32
    %dma_wait3A_900 = tpu.memref_slice %arg5[%dma_wait3A_896, %dma_wait3A_898, %dma_wait3A_899] : memref<3x32x1024xf32, #tpu.memory_space<vmem>> -> memref<1x32x1024xf32, #tpu.memory_space<vmem>>
    %dma_wait3A_901 = tpu.memref_squeeze %dma_wait3A_900 : memref<1x32x1024xf32, #tpu.memory_space<vmem>> -> memref<32x1024xf32, #tpu.memory_space<vmem>>
    %dma_wait3A_902 = arith.constant 0 : i32
    %dma_wait3A_903 = tpu.memref_slice %arg4[%add3A_87, %dma_wait3A_902] : memref<16448x1024xf32, #tpu.memory_space<hbm>> -> memref<32x1024xf32, #tpu.memory_space<hbm>>
    %dma_wait3A_904 = tpu.memref_slice %arg8[%dma_wait3A_897] : memref<3x!tpu.dma_semaphore, #tpu.memory_space<semaphore_mem>> -> memref<1x!tpu.dma_semaphore, #tpu.memory_space<semaphore_mem>>
    %dma_wait3A_905 = tpu.memref_squeeze %dma_wait3A_904 : memref<1x!tpu.dma_semaphore, #tpu.memory_space<semaphore_mem>> -> memref<!tpu.dma_semaphore, #tpu.memory_space<semaphore_mem>>
    %dma_wait3A_906 = arith.constant 0 : i32
    %dma_wait3A_907 = tpu.memref_slice %arg4[%add3A_87, %dma_wait3A_906] : memref<16448x1024xf32, #tpu.memory_space<hbm>> -> memref<32x1024xf32, #tpu.memory_space<hbm>>
    %dma_wait3A_908 = arith.constant 0 : i32
    %dma_wait3A_909 = arith.constant 0 : i32
    %dma_wait3A_910 = tpu.memref_slice %arg5[%dma_wait3A_896, %dma_wait3A_908, %dma_wait3A_909] : memref<3x32x1024xf32, #tpu.memory_space<vmem>> -> memref<1x32x1024xf32, #tpu.memory_space<vmem>>
    %dma_wait3A_911 = tpu.memref_squeeze %dma_wait3A_910 : memref<1x32x1024xf32, #tpu.memory_space<vmem>> -> memref<32x1024xf32, #tpu.memory_space<vmem>>
    tpu.wait_dma2 semaphore(%dma_wait3A_905 : memref<!tpu.dma_semaphore, #tpu.memory_space<semaphore_mem>>) src(%dma_wait3A_911 : memref<32x1024xf32, #tpu.memory_space<vmem>>) dst(%dma_wait3A_907 : memref<32x1024xf32, #tpu.memory_space<hbm>>)
    %dma_start3A_912 = arith.constant 2 : i32
    %dma_start3A_913 = arith.constant 2 : i32
    %dma_start3A_914 = arith.constant 0 : i32
    %dma_start3A_915 = arith.constant 0 : i32
    %dma_start3A_916 = tpu.memref_slice %arg5[%dma_start3A_912, %dma_start3A_914, %dma_start3A_915] : memref<3x32x1024xf32, #tpu.memory_space<vmem>> -> memref<1x32x1024xf32, #tpu.memory_space<vmem>>
    %dma_start3A_917 = tpu.memref_squeeze %dma_start3A_916 : memref<1x32x1024xf32, #tpu.memory_space<vmem>> -> memref<32x1024xf32, #tpu.memory_space<vmem>>
    %dma_start3A_918 = arith.constant 0 : i32
    %dma_start3A_919 = tpu.memref_slice %arg2[%add3A_97, %dma_start3A_918] : memref<16384x1024xf32, #tpu.memory_space<hbm>> -> memref<32x1024xf32, #tpu.memory_space<hbm>>
    %dma_start3A_920 = tpu.memref_slice %arg7[%dma_start3A_913] : memref<3x!tpu.dma_semaphore, #tpu.memory_space<semaphore_mem>> -> memref<1x!tpu.dma_semaphore, #tpu.memory_space<semaphore_mem>>
    %dma_start3A_921 = tpu.memref_squeeze %dma_start3A_920 : memref<1x!tpu.dma_semaphore, #tpu.memory_space<semaphore_mem>> -> memref<!tpu.dma_semaphore, #tpu.memory_space<semaphore_mem>>
    %dma_start3A_922 = arith.constant 0 : i32
    %dma_start3A_923 = arith.constant 0 : i32
    %dma_start3A_924 = tpu.memref_slice %arg5[%dma_start3A_912, %dma_start3A_922, %dma_start3A_923] : memref<3x32x1024xf32, #tpu.memory_space<vmem>> -> memref<1x32x1024xf32, #tpu.memory_space<vmem>>
    %dma_start3A_925 = tpu.memref_squeeze %dma_start3A_924 : memref<1x32x1024xf32, #tpu.memory_space<vmem>> -> memref<32x1024xf32, #tpu.memory_space<vmem>>
    %dma_start3A_926 = arith.constant 0 : i32
    %dma_start3A_927 = tpu.memref_slice %arg2[%add3A_97, %dma_start3A_926] : memref<16384x1024xf32, #tpu.memory_space<hbm>> -> memref<32x1024xf32, #tpu.memory_space<hbm>>
    tpu.enqueue_dma source(%dma_start3A_927 : memref<32x1024xf32, #tpu.memory_space<hbm>>) target(%dma_start3A_925 : memref<32x1024xf32, #tpu.memory_space<vmem>>) target_semaphore(%dma_start3A_921 : memref<!tpu.dma_semaphore, #tpu.memory_space<semaphore_mem>>)
    %dma_wait3A_928 = arith.constant 0 : i32
    %dma_wait3A_929 = arith.constant 0 : i32
    %dma_wait3A_930 = arith.constant 0 : i32
    %dma_wait3A_931 = arith.constant 0 : i32
    %dma_wait3A_932 = tpu.memref_slice %arg5[%dma_wait3A_928, %dma_wait3A_930, %dma_wait3A_931] : memref<3x32x1024xf32, #tpu.memory_space<vmem>> -> memref<1x32x1024xf32, #tpu.memory_space<vmem>>
    %dma_wait3A_933 = tpu.memref_squeeze %dma_wait3A_932 : memref<1x32x1024xf32, #tpu.memory_space<vmem>> -> memref<32x1024xf32, #tpu.memory_space<vmem>>
    %dma_wait3A_934 = arith.constant 0 : i32
    %dma_wait3A_935 = tpu.memref_slice %arg2[%add3A_89, %dma_wait3A_934] : memref<16384x1024xf32, #tpu.memory_space<hbm>> -> memref<32x1024xf32, #tpu.memory_space<hbm>>
    %dma_wait3A_936 = tpu.memref_slice %arg7[%dma_wait3A_929] : memref<3x!tpu.dma_semaphore, #tpu.memory_space<semaphore_mem>> -> memref<1x!tpu.dma_semaphore, #tpu.memory_space<semaphore_mem>>
    %dma_wait3A_937 = tpu.memref_squeeze %dma_wait3A_936 : memref<1x!tpu.dma_semaphore, #tpu.memory_space<semaphore_mem>> -> memref<!tpu.dma_semaphore, #tpu.memory_space<semaphore_mem>>
    %dma_wait3A_938 = arith.constant 0 : i32
    %dma_wait3A_939 = arith.constant 0 : i32
    %dma_wait3A_940 = tpu.memref_slice %arg5[%dma_wait3A_928, %dma_wait3A_938, %dma_wait3A_939] : memref<3x32x1024xf32, #tpu.memory_space<vmem>> -> memref<1x32x1024xf32, #tpu.memory_space<vmem>>
    %dma_wait3A_941 = tpu.memref_squeeze %dma_wait3A_940 : memref<1x32x1024xf32, #tpu.memory_space<vmem>> -> memref<32x1024xf32, #tpu.memory_space<vmem>>
    %dma_wait3A_942 = arith.constant 0 : i32
    %dma_wait3A_943 = tpu.memref_slice %arg2[%add3A_89, %dma_wait3A_942] : memref<16384x1024xf32, #tpu.memory_space<hbm>> -> memref<32x1024xf32, #tpu.memory_space<hbm>>
    tpu.wait_dma2 semaphore(%dma_wait3A_937 : memref<!tpu.dma_semaphore, #tpu.memory_space<semaphore_mem>>) src(%dma_wait3A_943 : memref<32x1024xf32, #tpu.memory_space<hbm>>) dst(%dma_wait3A_941 : memref<32x1024xf32, #tpu.memory_space<vmem>>)
    %dma_start3A_944 = arith.constant 0 : i32
    %dma_start3A_945 = arith.constant 0 : i32
    %dma_start3A_946 = arith.constant 0 : i32
    %dma_start3A_947 = arith.constant 0 : i32
    %dma_start3A_948 = tpu.memref_slice %arg5[%dma_start3A_944, %dma_start3A_946, %dma_start3A_947] : memref<3x32x1024xf32, #tpu.memory_space<vmem>> -> memref<1x32x1024xf32, #tpu.memory_space<vmem>>
    %dma_start3A_949 = tpu.memref_squeeze %dma_start3A_948 : memref<1x32x1024xf32, #tpu.memory_space<vmem>> -> memref<32x1024xf32, #tpu.memory_space<vmem>>
    %dma_start3A_950 = arith.constant 0 : i32
    %dma_start3A_951 = tpu.memref_slice %arg4[%add3A_91, %dma_start3A_950] : memref<16448x1024xf32, #tpu.memory_space<hbm>> -> memref<32x1024xf32, #tpu.memory_space<hbm>>
    %dma_start3A_952 = tpu.memref_slice %arg8[%dma_start3A_945] : memref<3x!tpu.dma_semaphore, #tpu.memory_space<semaphore_mem>> -> memref<1x!tpu.dma_semaphore, #tpu.memory_space<semaphore_mem>>
    %dma_start3A_953 = tpu.memref_squeeze %dma_start3A_952 : memref<1x!tpu.dma_semaphore, #tpu.memory_space<semaphore_mem>> -> memref<!tpu.dma_semaphore, #tpu.memory_space<semaphore_mem>>
    %dma_start3A_954 = arith.constant 0 : i32
    %dma_start3A_955 = tpu.memref_slice %arg4[%add3A_91, %dma_start3A_954] : memref<16448x1024xf32, #tpu.memory_space<hbm>> -> memref<32x1024xf32, #tpu.memory_space<hbm>>
    %dma_start3A_956 = arith.constant 0 : i32
    %dma_start3A_957 = arith.constant 0 : i32
    %dma_start3A_958 = tpu.memref_slice %arg5[%dma_start3A_944, %dma_start3A_956, %dma_start3A_957] : memref<3x32x1024xf32, #tpu.memory_space<vmem>> -> memref<1x32x1024xf32, #tpu.memory_space<vmem>>
    %dma_start3A_959 = tpu.memref_squeeze %dma_start3A_958 : memref<1x32x1024xf32, #tpu.memory_space<vmem>> -> memref<32x1024xf32, #tpu.memory_space<vmem>>
    tpu.enqueue_dma source(%dma_start3A_959 : memref<32x1024xf32, #tpu.memory_space<vmem>>) target(%dma_start3A_955 : memref<32x1024xf32, #tpu.memory_space<hbm>>) target_semaphore(%dma_start3A_953 : memref<!tpu.dma_semaphore, #tpu.memory_space<semaphore_mem>>)
    %dma_wait3A_960 = arith.constant 0 : i32
    %dma_wait3A_961 = arith.constant 0 : i32
    %dma_wait3A_962 = arith.constant 0 : i32
    %dma_wait3A_963 = arith.constant 0 : i32
    %dma_wait3A_964 = tpu.memref_slice %arg5[%dma_wait3A_960, %dma_wait3A_962, %dma_wait3A_963] : memref<3x32x1024xf32, #tpu.memory_space<vmem>> -> memref<1x32x1024xf32, #tpu.memory_space<vmem>>
    %dma_wait3A_965 = tpu.memref_squeeze %dma_wait3A_964 : memref<1x32x1024xf32, #tpu.memory_space<vmem>> -> memref<32x1024xf32, #tpu.memory_space<vmem>>
    %dma_wait3A_966 = arith.constant 0 : i32
    %dma_wait3A_967 = tpu.memref_slice %arg4[%add3A_91, %dma_wait3A_966] : memref<16448x1024xf32, #tpu.memory_space<hbm>> -> memref<32x1024xf32, #tpu.memory_space<hbm>>
    %dma_wait3A_968 = tpu.memref_slice %arg8[%dma_wait3A_961] : memref<3x!tpu.dma_semaphore, #tpu.memory_space<semaphore_mem>> -> memref<1x!tpu.dma_semaphore, #tpu.memory_space<semaphore_mem>>
    %dma_wait3A_969 = tpu.memref_squeeze %dma_wait3A_968 : memref<1x!tpu.dma_semaphore, #tpu.memory_space<semaphore_mem>> -> memref<!tpu.dma_semaphore, #tpu.memory_space<semaphore_mem>>
    %dma_wait3A_970 = arith.constant 0 : i32
    %dma_wait3A_971 = tpu.memref_slice %arg4[%add3A_91, %dma_wait3A_970] : memref<16448x1024xf32, #tpu.memory_space<hbm>> -> memref<32x1024xf32, #tpu.memory_space<hbm>>
    %dma_wait3A_972 = arith.constant 0 : i32
    %dma_wait3A_973 = arith.constant 0 : i32
    %dma_wait3A_974 = tpu.memref_slice %arg5[%dma_wait3A_960, %dma_wait3A_972, %dma_wait3A_973] : memref<3x32x1024xf32, #tpu.memory_space<vmem>> -> memref<1x32x1024xf32, #tpu.memory_space<vmem>>
    %dma_wait3A_975 = tpu.memref_squeeze %dma_wait3A_974 : memref<1x32x1024xf32, #tpu.memory_space<vmem>> -> memref<32x1024xf32, #tpu.memory_space<vmem>>
    tpu.wait_dma2 semaphore(%dma_wait3A_969 : memref<!tpu.dma_semaphore, #tpu.memory_space<semaphore_mem>>) src(%dma_wait3A_975 : memref<32x1024xf32, #tpu.memory_space<vmem>>) dst(%dma_wait3A_971 : memref<32x1024xf32, #tpu.memory_space<hbm>>)
    %dma_start3A_976 = arith.constant 0 : i32
    %dma_start3A_977 = arith.constant 0 : i32
    %dma_start3A_978 = arith.constant 0 : i32
    %dma_start3A_979 = arith.constant 0 : i32
    %dma_start3A_980 = tpu.memref_slice %arg5[%dma_start3A_976, %dma_start3A_978, %dma_start3A_979] : memref<3x32x1024xf32, #tpu.memory_space<vmem>> -> memref<1x32x1024xf32, #tpu.memory_space<vmem>>
    %dma_start3A_981 = tpu.memref_squeeze %dma_start3A_980 : memref<1x32x1024xf32, #tpu.memory_space<vmem>> -> memref<32x1024xf32, #tpu.memory_space<vmem>>
    %dma_start3A_982 = arith.constant 0 : i32
    %dma_start3A_983 = tpu.memref_slice %arg2[%add3A_101, %dma_start3A_982] : memref<16384x1024xf32, #tpu.memory_space<hbm>> -> memref<32x1024xf32, #tpu.memory_space<hbm>>
    %dma_start3A_984 = tpu.memref_slice %arg7[%dma_start3A_977] : memref<3x!tpu.dma_semaphore, #tpu.memory_space<semaphore_mem>> -> memref<1x!tpu.dma_semaphore, #tpu.memory_space<semaphore_mem>>
    %dma_start3A_985 = tpu.memref_squeeze %dma_start3A_984 : memref<1x!tpu.dma_semaphore, #tpu.memory_space<semaphore_mem>> -> memref<!tpu.dma_semaphore, #tpu.memory_space<semaphore_mem>>
    %dma_start3A_986 = arith.constant 0 : i32
    %dma_start3A_987 = arith.constant 0 : i32
    %dma_start3A_988 = tpu.memref_slice %arg5[%dma_start3A_976, %dma_start3A_986, %dma_start3A_987] : memref<3x32x1024xf32, #tpu.memory_space<vmem>> -> memref<1x32x1024xf32, #tpu.memory_space<vmem>>
    %dma_start3A_989 = tpu.memref_squeeze %dma_start3A_988 : memref<1x32x1024xf32, #tpu.memory_space<vmem>> -> memref<32x1024xf32, #tpu.memory_space<vmem>>
    %dma_start3A_990 = arith.constant 0 : i32
    %dma_start3A_991 = tpu.memref_slice %arg2[%add3A_101, %dma_start3A_990] : memref<16384x1024xf32, #tpu.memory_space<hbm>> -> memref<32x1024xf32, #tpu.memory_space<hbm>>
    tpu.enqueue_dma source(%dma_start3A_991 : memref<32x1024xf32, #tpu.memory_space<hbm>>) target(%dma_start3A_989 : memref<32x1024xf32, #tpu.memory_space<vmem>>) target_semaphore(%dma_start3A_985 : memref<!tpu.dma_semaphore, #tpu.memory_space<semaphore_mem>>)
    %dma_wait3A_992 = arith.constant 1 : i32
    %dma_wait3A_993 = arith.constant 1 : i32
    %dma_wait3A_994 = arith.constant 0 : i32
    %dma_wait3A_995 = arith.constant 0 : i32
    %dma_wait3A_996 = tpu.memref_slice %arg5[%dma_wait3A_992, %dma_wait3A_994, %dma_wait3A_995] : memref<3x32x1024xf32, #tpu.memory_space<vmem>> -> memref<1x32x1024xf32, #tpu.memory_space<vmem>>
    %dma_wait3A_997 = tpu.memref_squeeze %dma_wait3A_996 : memref<1x32x1024xf32, #tpu.memory_space<vmem>> -> memref<32x1024xf32, #tpu.memory_space<vmem>>
    %dma_wait3A_998 = arith.constant 0 : i32
    %dma_wait3A_999 = tpu.memref_slice %arg2[%add3A_93, %dma_wait3A_998] : memref<16384x1024xf32, #tpu.memory_space<hbm>> -> memref<32x1024xf32, #tpu.memory_space<hbm>>
    %dma_wait3A_1000 = tpu.memref_slice %arg7[%dma_wait3A_993] : memref<3x!tpu.dma_semaphore, #tpu.memory_space<semaphore_mem>> -> memref<1x!tpu.dma_semaphore, #tpu.memory_space<semaphore_mem>>
    %dma_wait3A_1001 = tpu.memref_squeeze %dma_wait3A_1000 : memref<1x!tpu.dma_semaphore, #tpu.memory_space<semaphore_mem>> -> memref<!tpu.dma_semaphore, #tpu.memory_space<semaphore_mem>>
    %dma_wait3A_1002 = arith.constant 0 : i32
    %dma_wait3A_1003 = arith.constant 0 : i32
    %dma_wait3A_1004 = tpu.memref_slice %arg5[%dma_wait3A_992, %dma_wait3A_1002, %dma_wait3A_1003] : memref<3x32x1024xf32, #tpu.memory_space<vmem>> -> memref<1x32x1024xf32, #tpu.memory_space<vmem>>
    %dma_wait3A_1005 = tpu.memref_squeeze %dma_wait3A_1004 : memref<1x32x1024xf32, #tpu.memory_space<vmem>> -> memref<32x1024xf32, #tpu.memory_space<vmem>>
    %dma_wait3A_1006 = arith.constant 0 : i32
    %dma_wait3A_1007 = tpu.memref_slice %arg2[%add3A_93, %dma_wait3A_1006] : memref<16384x1024xf32, #tpu.memory_space<hbm>> -> memref<32x1024xf32, #tpu.memory_space<hbm>>
    tpu.wait_dma2 semaphore(%dma_wait3A_1001 : memref<!tpu.dma_semaphore, #tpu.memory_space<semaphore_mem>>) src(%dma_wait3A_1007 : memref<32x1024xf32, #tpu.memory_space<hbm>>) dst(%dma_wait3A_1005 : memref<32x1024xf32, #tpu.memory_space<vmem>>)
    %dma_start3A_1008 = arith.constant 1 : i32
    %dma_start3A_1009 = arith.constant 1 : i32
    %dma_start3A_1010 = arith.constant 0 : i32
    %dma_start3A_1011 = arith.constant 0 : i32
    %dma_start3A_1012 = tpu.memref_slice %arg5[%dma_start3A_1008, %dma_start3A_1010, %dma_start3A_1011] : memref<3x32x1024xf32, #tpu.memory_space<vmem>> -> memref<1x32x1024xf32, #tpu.memory_space<vmem>>
    %dma_start3A_1013 = tpu.memref_squeeze %dma_start3A_1012 : memref<1x32x1024xf32, #tpu.memory_space<vmem>> -> memref<32x1024xf32, #tpu.memory_space<vmem>>
    %dma_start3A_1014 = arith.constant 0 : i32
    %dma_start3A_1015 = tpu.memref_slice %arg4[%add3A_95, %dma_start3A_1014] : memref<16448x1024xf32, #tpu.memory_space<hbm>> -> memref<32x1024xf32, #tpu.memory_space<hbm>>
    %dma_start3A_1016 = tpu.memref_slice %arg8[%dma_start3A_1009] : memref<3x!tpu.dma_semaphore, #tpu.memory_space<semaphore_mem>> -> memref<1x!tpu.dma_semaphore, #tpu.memory_space<semaphore_mem>>
    %dma_start3A_1017 = tpu.memref_squeeze %dma_start3A_1016 : memref<1x!tpu.dma_semaphore, #tpu.memory_space<semaphore_mem>> -> memref<!tpu.dma_semaphore, #tpu.memory_space<semaphore_mem>>
    %dma_start3A_1018 = arith.constant 0 : i32
    %dma_start3A_1019 = tpu.memref_slice %arg4[%add3A_95, %dma_start3A_1018] : memref<16448x1024xf32, #tpu.memory_space<hbm>> -> memref<32x1024xf32, #tpu.memory_space<hbm>>
    %dma_start3A_1020 = arith.constant 0 : i32
    %dma_start3A_1021 = arith.constant 0 : i32
    %dma_start3A_1022 = tpu.memref_slice %arg5[%dma_start3A_1008, %dma_start3A_1020, %dma_start3A_1021] : memref<3x32x1024xf32, #tpu.memory_space<vmem>> -> memref<1x32x1024xf32, #tpu.memory_space<vmem>>
    %dma_start3A_1023 = tpu.memref_squeeze %dma_start3A_1022 : memref<1x32x1024xf32, #tpu.memory_space<vmem>> -> memref<32x1024xf32, #tpu.memory_space<vmem>>
    tpu.enqueue_dma source(%dma_start3A_1023 : memref<32x1024xf32, #tpu.memory_space<vmem>>) target(%dma_start3A_1019 : memref<32x1024xf32, #tpu.memory_space<hbm>>) target_semaphore(%dma_start3A_1017 : memref<!tpu.dma_semaphore, #tpu.memory_space<semaphore_mem>>)
    %dma_wait3A_1024 = arith.constant 2 : i32
    %dma_wait3A_1025 = arith.constant 2 : i32
    %dma_wait3A_1026 = arith.constant 0 : i32
    %dma_wait3A_1027 = arith.constant 0 : i32
    %dma_wait3A_1028 = tpu.memref_slice %arg5[%dma_wait3A_1024, %dma_wait3A_1026, %dma_wait3A_1027] : memref<3x32x1024xf32, #tpu.memory_space<vmem>> -> memref<1x32x1024xf32, #tpu.memory_space<vmem>>
    %dma_wait3A_1029 = tpu.memref_squeeze %dma_wait3A_1028 : memref<1x32x1024xf32, #tpu.memory_space<vmem>> -> memref<32x1024xf32, #tpu.memory_space<vmem>>
    %dma_wait3A_1030 = arith.constant 0 : i32
    %dma_wait3A_1031 = tpu.memref_slice %arg2[%add3A_97, %dma_wait3A_1030] : memref<16384x1024xf32, #tpu.memory_space<hbm>> -> memref<32x1024xf32, #tpu.memory_space<hbm>>
    %dma_wait3A_1032 = tpu.memref_slice %arg7[%dma_wait3A_1025] : memref<3x!tpu.dma_semaphore, #tpu.memory_space<semaphore_mem>> -> memref<1x!tpu.dma_semaphore, #tpu.memory_space<semaphore_mem>>
    %dma_wait3A_1033 = tpu.memref_squeeze %dma_wait3A_1032 : memref<1x!tpu.dma_semaphore, #tpu.memory_space<semaphore_mem>> -> memref<!tpu.dma_semaphore, #tpu.memory_space<semaphore_mem>>
    %dma_wait3A_1034 = arith.constant 0 : i32
    %dma_wait3A_1035 = arith.constant 0 : i32
    %dma_wait3A_1036 = tpu.memref_slice %arg5[%dma_wait3A_1024, %dma_wait3A_1034, %dma_wait3A_1035] : memref<3x32x1024xf32, #tpu.memory_space<vmem>> -> memref<1x32x1024xf32, #tpu.memory_space<vmem>>
    %dma_wait3A_1037 = tpu.memref_squeeze %dma_wait3A_1036 : memref<1x32x1024xf32, #tpu.memory_space<vmem>> -> memref<32x1024xf32, #tpu.memory_space<vmem>>
    %dma_wait3A_1038 = arith.constant 0 : i32
    %dma_wait3A_1039 = tpu.memref_slice %arg2[%add3A_97, %dma_wait3A_1038] : memref<16384x1024xf32, #tpu.memory_space<hbm>> -> memref<32x1024xf32, #tpu.memory_space<hbm>>
    tpu.wait_dma2 semaphore(%dma_wait3A_1033 : memref<!tpu.dma_semaphore, #tpu.memory_space<semaphore_mem>>) src(%dma_wait3A_1039 : memref<32x1024xf32, #tpu.memory_space<hbm>>) dst(%dma_wait3A_1037 : memref<32x1024xf32, #tpu.memory_space<vmem>>)
    %dma_start3A_1040 = arith.constant 2 : i32
    %dma_start3A_1041 = arith.constant 2 : i32
    %dma_start3A_1042 = arith.constant 0 : i32
    %dma_start3A_1043 = arith.constant 0 : i32
    %dma_start3A_1044 = tpu.memref_slice %arg5[%dma_start3A_1040, %dma_start3A_1042, %dma_start3A_1043] : memref<3x32x1024xf32, #tpu.memory_space<vmem>> -> memref<1x32x1024xf32, #tpu.memory_space<vmem>>
    %dma_start3A_1045 = tpu.memref_squeeze %dma_start3A_1044 : memref<1x32x1024xf32, #tpu.memory_space<vmem>> -> memref<32x1024xf32, #tpu.memory_space<vmem>>
    %dma_start3A_1046 = arith.constant 0 : i32
    %dma_start3A_1047 = tpu.memref_slice %arg4[%add3A_99, %dma_start3A_1046] : memref<16448x1024xf32, #tpu.memory_space<hbm>> -> memref<32x1024xf32, #tpu.memory_space<hbm>>
    %dma_start3A_1048 = tpu.memref_slice %arg8[%dma_start3A_1041] : memref<3x!tpu.dma_semaphore, #tpu.memory_space<semaphore_mem>> -> memref<1x!tpu.dma_semaphore, #tpu.memory_space<semaphore_mem>>
    %dma_start3A_1049 = tpu.memref_squeeze %dma_start3A_1048 : memref<1x!tpu.dma_semaphore, #tpu.memory_space<semaphore_mem>> -> memref<!tpu.dma_semaphore, #tpu.memory_space<semaphore_mem>>
    %dma_start3A_1050 = arith.constant 0 : i32
    %dma_start3A_1051 = tpu.memref_slice %arg4[%add3A_99, %dma_start3A_1050] : memref<16448x1024xf32, #tpu.memory_space<hbm>> -> memref<32x1024xf32, #tpu.memory_space<hbm>>
    %dma_start3A_1052 = arith.constant 0 : i32
    %dma_start3A_1053 = arith.constant 0 : i32
    %dma_start3A_1054 = tpu.memref_slice %arg5[%dma_start3A_1040, %dma_start3A_1052, %dma_start3A_1053] : memref<3x32x1024xf32, #tpu.memory_space<vmem>> -> memref<1x32x1024xf32, #tpu.memory_space<vmem>>
    %dma_start3A_1055 = tpu.memref_squeeze %dma_start3A_1054 : memref<1x32x1024xf32, #tpu.memory_space<vmem>> -> memref<32x1024xf32, #tpu.memory_space<vmem>>
    tpu.enqueue_dma source(%dma_start3A_1055 : memref<32x1024xf32, #tpu.memory_space<vmem>>) target(%dma_start3A_1051 : memref<32x1024xf32, #tpu.memory_space<hbm>>) target_semaphore(%dma_start3A_1049 : memref<!tpu.dma_semaphore, #tpu.memory_space<semaphore_mem>>)
    %dma_wait3A_1056 = arith.constant 0 : i32
    %dma_wait3A_1057 = arith.constant 0 : i32
    %dma_wait3A_1058 = arith.constant 0 : i32
    %dma_wait3A_1059 = arith.constant 0 : i32
    %dma_wait3A_1060 = tpu.memref_slice %arg5[%dma_wait3A_1056, %dma_wait3A_1058, %dma_wait3A_1059] : memref<3x32x1024xf32, #tpu.memory_space<vmem>> -> memref<1x32x1024xf32, #tpu.memory_space<vmem>>
    %dma_wait3A_1061 = tpu.memref_squeeze %dma_wait3A_1060 : memref<1x32x1024xf32, #tpu.memory_space<vmem>> -> memref<32x1024xf32, #tpu.memory_space<vmem>>
    %dma_wait3A_1062 = arith.constant 0 : i32
    %dma_wait3A_1063 = tpu.memref_slice %arg2[%add3A_101, %dma_wait3A_1062] : memref<16384x1024xf32, #tpu.memory_space<hbm>> -> memref<32x1024xf32, #tpu.memory_space<hbm>>
    %dma_wait3A_1064 = tpu.memref_slice %arg7[%dma_wait3A_1057] : memref<3x!tpu.dma_semaphore, #tpu.memory_space<semaphore_mem>> -> memref<1x!tpu.dma_semaphore, #tpu.memory_space<semaphore_mem>>
    %dma_wait3A_1065 = tpu.memref_squeeze %dma_wait3A_1064 : memref<1x!tpu.dma_semaphore, #tpu.memory_space<semaphore_mem>> -> memref<!tpu.dma_semaphore, #tpu.memory_space<semaphore_mem>>
    %dma_wait3A_1066 = arith.constant 0 : i32
    %dma_wait3A_1067 = arith.constant 0 : i32
    %dma_wait3A_1068 = tpu.memref_slice %arg5[%dma_wait3A_1056, %dma_wait3A_1066, %dma_wait3A_1067] : memref<3x32x1024xf32, #tpu.memory_space<vmem>> -> memref<1x32x1024xf32, #tpu.memory_space<vmem>>
    %dma_wait3A_1069 = tpu.memref_squeeze %dma_wait3A_1068 : memref<1x32x1024xf32, #tpu.memory_space<vmem>> -> memref<32x1024xf32, #tpu.memory_space<vmem>>
    %dma_wait3A_1070 = arith.constant 0 : i32
    %dma_wait3A_1071 = tpu.memref_slice %arg2[%add3A_101, %dma_wait3A_1070] : memref<16384x1024xf32, #tpu.memory_space<hbm>> -> memref<32x1024xf32, #tpu.memory_space<hbm>>
    tpu.wait_dma2 semaphore(%dma_wait3A_1065 : memref<!tpu.dma_semaphore, #tpu.memory_space<semaphore_mem>>) src(%dma_wait3A_1071 : memref<32x1024xf32, #tpu.memory_space<hbm>>) dst(%dma_wait3A_1069 : memref<32x1024xf32, #tpu.memory_space<vmem>>)
    %dma_start3A_1072 = arith.constant 0 : i32
    %dma_start3A_1073 = arith.constant 0 : i32
    %dma_start3A_1074 = arith.constant 0 : i32
    %dma_start3A_1075 = arith.constant 0 : i32
    %dma_start3A_1076 = tpu.memref_slice %arg5[%dma_start3A_1072, %dma_start3A_1074, %dma_start3A_1075] : memref<3x32x1024xf32, #tpu.memory_space<vmem>> -> memref<1x32x1024xf32, #tpu.memory_space<vmem>>
    %dma_start3A_1077 = tpu.memref_squeeze %dma_start3A_1076 : memref<1x32x1024xf32, #tpu.memory_space<vmem>> -> memref<32x1024xf32, #tpu.memory_space<vmem>>
    %dma_start3A_1078 = arith.constant 0 : i32
    %dma_start3A_1079 = tpu.memref_slice %arg4[%add3A_103, %dma_start3A_1078] : memref<16448x1024xf32, #tpu.memory_space<hbm>> -> memref<32x1024xf32, #tpu.memory_space<hbm>>
    %dma_start3A_1080 = tpu.memref_slice %arg8[%dma_start3A_1073] : memref<3x!tpu.dma_semaphore, #tpu.memory_space<semaphore_mem>> -> memref<1x!tpu.dma_semaphore, #tpu.memory_space<semaphore_mem>>
    %dma_start3A_1081 = tpu.memref_squeeze %dma_start3A_1080 : memref<1x!tpu.dma_semaphore, #tpu.memory_space<semaphore_mem>> -> memref<!tpu.dma_semaphore, #tpu.memory_space<semaphore_mem>>
    %dma_start3A_1082 = arith.constant 0 : i32
    %dma_start3A_1083 = tpu.memref_slice %arg4[%add3A_103, %dma_start3A_1082] : memref<16448x1024xf32, #tpu.memory_space<hbm>> -> memref<32x1024xf32, #tpu.memory_space<hbm>>
    %dma_start3A_1084 = arith.constant 0 : i32
    %dma_start3A_1085 = arith.constant 0 : i32
    %dma_start3A_1086 = tpu.memref_slice %arg5[%dma_start3A_1072, %dma_start3A_1084, %dma_start3A_1085] : memref<3x32x1024xf32, #tpu.memory_space<vmem>> -> memref<1x32x1024xf32, #tpu.memory_space<vmem>>
    %dma_start3A_1087 = tpu.memref_squeeze %dma_start3A_1086 : memref<1x32x1024xf32, #tpu.memory_space<vmem>> -> memref<32x1024xf32, #tpu.memory_space<vmem>>
    tpu.enqueue_dma source(%dma_start3A_1087 : memref<32x1024xf32, #tpu.memory_space<vmem>>) target(%dma_start3A_1083 : memref<32x1024xf32, #tpu.memory_space<hbm>>) target_semaphore(%dma_start3A_1081 : memref<!tpu.dma_semaphore, #tpu.memory_space<semaphore_mem>>)
    %dma_wait3A_1088 = arith.constant 1 : i32
    %dma_wait3A_1089 = arith.constant 1 : i32
    %dma_wait3A_1090 = arith.constant 0 : i32
    %dma_wait3A_1091 = arith.constant 0 : i32
    %dma_wait3A_1092 = tpu.memref_slice %arg5[%dma_wait3A_1088, %dma_wait3A_1090, %dma_wait3A_1091] : memref<3x32x1024xf32, #tpu.memory_space<vmem>> -> memref<1x32x1024xf32, #tpu.memory_space<vmem>>
    %dma_wait3A_1093 = tpu.memref_squeeze %dma_wait3A_1092 : memref<1x32x1024xf32, #tpu.memory_space<vmem>> -> memref<32x1024xf32, #tpu.memory_space<vmem>>
    %dma_wait3A_1094 = arith.constant 0 : i32
    %dma_wait3A_1095 = tpu.memref_slice %arg4[%add3A_95, %dma_wait3A_1094] : memref<16448x1024xf32, #tpu.memory_space<hbm>> -> memref<32x1024xf32, #tpu.memory_space<hbm>>
    %dma_wait3A_1096 = tpu.memref_slice %arg8[%dma_wait3A_1089] : memref<3x!tpu.dma_semaphore, #tpu.memory_space<semaphore_mem>> -> memref<1x!tpu.dma_semaphore, #tpu.memory_space<semaphore_mem>>
    %dma_wait3A_1097 = tpu.memref_squeeze %dma_wait3A_1096 : memref<1x!tpu.dma_semaphore, #tpu.memory_space<semaphore_mem>> -> memref<!tpu.dma_semaphore, #tpu.memory_space<semaphore_mem>>
    %dma_wait3A_1098 = arith.constant 0 : i32
    %dma_wait3A_1099 = tpu.memref_slice %arg4[%add3A_95, %dma_wait3A_1098] : memref<16448x1024xf32, #tpu.memory_space<hbm>> -> memref<32x1024xf32, #tpu.memory_space<hbm>>
    %dma_wait3A_1100 = arith.constant 0 : i32
    %dma_wait3A_1101 = arith.constant 0 : i32
    %dma_wait3A_1102 = tpu.memref_slice %arg5[%dma_wait3A_1088, %dma_wait3A_1100, %dma_wait3A_1101] : memref<3x32x1024xf32, #tpu.memory_space<vmem>> -> memref<1x32x1024xf32, #tpu.memory_space<vmem>>
    %dma_wait3A_1103 = tpu.memref_squeeze %dma_wait3A_1102 : memref<1x32x1024xf32, #tpu.memory_space<vmem>> -> memref<32x1024xf32, #tpu.memory_space<vmem>>
    tpu.wait_dma2 semaphore(%dma_wait3A_1097 : memref<!tpu.dma_semaphore, #tpu.memory_space<semaphore_mem>>) src(%dma_wait3A_1103 : memref<32x1024xf32, #tpu.memory_space<vmem>>) dst(%dma_wait3A_1099 : memref<32x1024xf32, #tpu.memory_space<hbm>>)
    %dma_wait3A_1104 = arith.constant 2 : i32
    %dma_wait3A_1105 = arith.constant 2 : i32
    %dma_wait3A_1106 = arith.constant 0 : i32
    %dma_wait3A_1107 = arith.constant 0 : i32
    %dma_wait3A_1108 = tpu.memref_slice %arg5[%dma_wait3A_1104, %dma_wait3A_1106, %dma_wait3A_1107] : memref<3x32x1024xf32, #tpu.memory_space<vmem>> -> memref<1x32x1024xf32, #tpu.memory_space<vmem>>
    %dma_wait3A_1109 = tpu.memref_squeeze %dma_wait3A_1108 : memref<1x32x1024xf32, #tpu.memory_space<vmem>> -> memref<32x1024xf32, #tpu.memory_space<vmem>>
    %dma_wait3A_1110 = arith.constant 0 : i32
    %dma_wait3A_1111 = tpu.memref_slice %arg4[%add3A_99, %dma_wait3A_1110] : memref<16448x1024xf32, #tpu.memory_space<hbm>> -> memref<32x1024xf32, #tpu.memory_space<hbm>>
    %dma_wait3A_1112 = tpu.memref_slice %arg8[%dma_wait3A_1105] : memref<3x!tpu.dma_semaphore, #tpu.memory_space<semaphore_mem>> -> memref<1x!tpu.dma_semaphore, #tpu.memory_space<semaphore_mem>>
    %dma_wait3A_1113 = tpu.memref_squeeze %dma_wait3A_1112 : memref<1x!tpu.dma_semaphore, #tpu.memory_space<semaphore_mem>> -> memref<!tpu.dma_semaphore, #tpu.memory_space<semaphore_mem>>
    %dma_wait3A_1114 = arith.constant 0 : i32
    %dma_wait3A_1115 = tpu.memref_slice %arg4[%add3A_99, %dma_wait3A_1114] : memref<16448x1024xf32, #tpu.memory_space<hbm>> -> memref<32x1024xf32, #tpu.memory_space<hbm>>
    %dma_wait3A_1116 = arith.constant 0 : i32
    %dma_wait3A_1117 = arith.constant 0 : i32
    %dma_wait3A_1118 = tpu.memref_slice %arg5[%dma_wait3A_1104, %dma_wait3A_1116, %dma_wait3A_1117] : memref<3x32x1024xf32, #tpu.memory_space<vmem>> -> memref<1x32x1024xf32, #tpu.memory_space<vmem>>
    %dma_wait3A_1119 = tpu.memref_squeeze %dma_wait3A_1118 : memref<1x32x1024xf32, #tpu.memory_space<vmem>> -> memref<32x1024xf32, #tpu.memory_space<vmem>>
    tpu.wait_dma2 semaphore(%dma_wait3A_1113 : memref<!tpu.dma_semaphore, #tpu.memory_space<semaphore_mem>>) src(%dma_wait3A_1119 : memref<32x1024xf32, #tpu.memory_space<vmem>>) dst(%dma_wait3A_1115 : memref<32x1024xf32, #tpu.memory_space<hbm>>)
    %dma_wait3A_1120 = arith.constant 0 : i32
    %dma_wait3A_1121 = arith.constant 0 : i32
    %dma_wait3A_1122 = arith.constant 0 : i32
    %dma_wait3A_1123 = arith.constant 0 : i32
    %dma_wait3A_1124 = tpu.memref_slice %arg5[%dma_wait3A_1120, %dma_wait3A_1122, %dma_wait3A_1123] : memref<3x32x1024xf32, #tpu.memory_space<vmem>> -> memref<1x32x1024xf32, #tpu.memory_space<vmem>>
    %dma_wait3A_1125 = tpu.memref_squeeze %dma_wait3A_1124 : memref<1x32x1024xf32, #tpu.memory_space<vmem>> -> memref<32x1024xf32, #tpu.memory_space<vmem>>
    %dma_wait3A_1126 = arith.constant 0 : i32
    %dma_wait3A_1127 = tpu.memref_slice %arg4[%add3A_103, %dma_wait3A_1126] : memref<16448x1024xf32, #tpu.memory_space<hbm>> -> memref<32x1024xf32, #tpu.memory_space<hbm>>
    %dma_wait3A_1128 = tpu.memref_slice %arg8[%dma_wait3A_1121] : memref<3x!tpu.dma_semaphore, #tpu.memory_space<semaphore_mem>> -> memref<1x!tpu.dma_semaphore, #tpu.memory_space<semaphore_mem>>
    %dma_wait3A_1129 = tpu.memref_squeeze %dma_wait3A_1128 : memref<1x!tpu.dma_semaphore, #tpu.memory_space<semaphore_mem>> -> memref<!tpu.dma_semaphore, #tpu.memory_space<semaphore_mem>>
    %dma_wait3A_1130 = arith.constant 0 : i32
    %dma_wait3A_1131 = tpu.memref_slice %arg4[%add3A_103, %dma_wait3A_1130] : memref<16448x1024xf32, #tpu.memory_space<hbm>> -> memref<32x1024xf32, #tpu.memory_space<hbm>>
    %dma_wait3A_1132 = arith.constant 0 : i32
    %dma_wait3A_1133 = arith.constant 0 : i32
    %dma_wait3A_1134 = tpu.memref_slice %arg5[%dma_wait3A_1120, %dma_wait3A_1132, %dma_wait3A_1133] : memref<3x32x1024xf32, #tpu.memory_space<vmem>> -> memref<1x32x1024xf32, #tpu.memory_space<vmem>>
    %dma_wait3A_1135 = tpu.memref_squeeze %dma_wait3A_1134 : memref<1x32x1024xf32, #tpu.memory_space<vmem>> -> memref<32x1024xf32, #tpu.memory_space<vmem>>
    tpu.wait_dma2 semaphore(%dma_wait3A_1129 : memref<!tpu.dma_semaphore, #tpu.memory_space<semaphore_mem>>) src(%dma_wait3A_1135 : memref<32x1024xf32, #tpu.memory_space<vmem>>) dst(%dma_wait3A_1131 : memref<32x1024xf32, #tpu.memory_space<hbm>>)
    %lt3A_1136 = arith.constant 4 : i32
    %lt3A_1137 = arith.cmpi slt, %add3A, %lt3A_1136 : i32
    %convert_element_type3A_1138 = arith.extui %lt3A_1137 : i1 to i32
    %cond3A_1139 = arith.constant 0 : i32
    %cond3A_1140 = arith.cmpi ne, %convert_element_type3A_1138, %cond3A_1139 : i32
    scf.if %cond3A_1140 {
      %dma_wait3A_1141 = arith.constant 0 : i32
      %dma_wait3A_1142 = tpu.memref_slice %arg4[%mul3A_105, %dma_wait3A_1141] : memref<16448x1024xf32, #tpu.memory_space<hbm>> -> memref<16x1024xf32, #tpu.memory_space<hbm>>
      %dma_wait3A_1143 = arith.constant 0 : i32
      %dma_wait3A_1144 = tpu.memref_slice %arg4[%mul3A_105, %dma_wait3A_1143] : memref<16448x1024xf32, #tpu.memory_space<hbm>> -> memref<16x1024xf32, #tpu.memory_space<hbm>>
      tpu.wait_dma2 semaphore(%arg9 : memref<!tpu.dma_semaphore, #tpu.memory_space<semaphore_mem>>) src(%arg6 : memref<16x1024xf32, #tpu.memory_space<vmem>>) dst(%dma_wait3A_1144 : memref<16x1024xf32, #tpu.memory_space<hbm>>)
    } else {
    }
    return
  }
}

</mosaic_0001>

<sc_bundles>
// kernel: kernel.3.cloned.1.call-start
scs
__scs_entry_jumppad:
0x0: {  	(pc) =	sbr.rel $0x88, $3  }
0x1: {  	(tag) =	ssettag $0x0;
	lr =	simm.s32 $0x1  }
0x2: {  	[smem:$0x3F9F] =	sst lr;
	_ =	strace $0xD0000000  }
0x3: {  	_ = 	snop  }
0x4: {  	_ = 	snop  }
0x5: {  	_ = 	snop  }
0x6: {  	_ = 	snop  }
0x7: {  	_ = 	snop  }
__scs_overlays_trampoline_lowered:
0x8: {  	[smem:$0x3FAE] =	sst s0  }
0x9: {  	[smem:$0x3FAF] =	sst s1  }
0xa: {  	[smem:$0x3FB0] =	sst s2  }
0xb: {  	[smem:$0x3FB1] =	sst s3  }
0xc: {  	[smem:$0x3FB2] =	sst s4  }
0xd: {  	[smem:$0x3FB3] =	sst s5  }
0xe: {  	[smem:$0x3FB4] =	sst s6  }
0xf: {  	[smem:$0x3FB5] =	sst s7  }
0x10: {  	[smem:$0x3FB6] =	sst s8  }
0x11: {  	[smem:$0x3FB7] =	sst s9;
	s0 =	simm.s32 @!p0 $0x0  }
0x12: {  	s1 =	sld [smem:$0x3F9D];
	s0 =	simm.s32 @p0 $0x1  }
0x13: {  	[smem:$0x3FB8] =	sst s0;
	s0 =	simm.s32 @!p1 $0x0  }
0x14: {  	s2 =	sld [smem:$0x3F9C];
	s0 =	simm.s32 @p1 $0x1  }
0x15: {  	[smem:$0x3FB9] =	sst s0;
	s0 =	simm.s32 @!p2 $0x0  }
0x16: {  	s3 =	sld [smem:$0x3FDB];
	s0 =	simm.s32 @p2 $0x1  }
0x17: {  	s4 =	simm.s32 $0x1BF5;
	[smem:$0x3FBB] =	sst s0  }
0x18: {  	s0 =	sld [smem:$0x3F9E];
	_ =	swait.ge [sflag:s4], $0x0  }
0x19: {  	s7 =	sld [smem:$0x3F9F]  }
0x1a: {  	s8 =	sadd.s32 $0xFFFFE003, lr  }
0x1b: {  	s9 =	sadd.s32 $0xFFFFFEF7, lr;
	s5 =	simm.s32 $0xFFFFFFFF;
	p2 =	slt.u32 s8, $0xFFFFF086  }
0x1c: {  	p1 =	slt.u32 s9, $0xF7A;
	s5 =	simm.s32 @!p2 $0x0  }
0x1d: {  	s5 =	simm.s32 @p1 $0x1;
	p0 =	seq.s32 s7, s2  }
0x1e: {  	s7 =	smul.u32 @!p0 $0xF7A, s2;
	p2 =	seq.s32 @!p0 s5, $0x0  }
0x1f: {  	s9 =	smul.u32 $0xF7A, s1;
	s8 =	simm.s32 @!p0 $0x1BF5;
	p2 =	por !p2, p0  }
0x20: {  	[sflag:s8] =	ssyncset.s32 @!p0 $0xFFFFF086;
	s6 =	sadd.s32 @!p0 s3, s7;
	s7 =	simm.s32 @!p0 $0x108  }
0x21: {  	s3 =	sadd.s32 s3, s9;
	s6 =	sadd.s32 @!p0 $0x88, s6;
	s7 =	simm.s32 @p2 $0x1082  }
0x22: {  	[simem:s7], [sflag:s8] =	dma.local @!p0 [hbm:s6], $0xF7A  }
0x23: {  	s9 =	sor.u32 $0xD0000000, s2;
	s6 =	simm.s32 $0x108;
	_ =	swait.ge @!p0 [sflag:s8], $0x0  }
0x24: {  	s3 =	sadd.s32 $0x88, s3;
	s6 =	simm.s32 @!p1 $0x1082;
	[sflag:s4] =	ssyncset.s32 $0xFFFFF086  }
0x25: {  	[simem:s6], [sflag:s4] =	dma.local [hbm:s3], $0xF7A  }
0x26: {  	[smem:$0x3F9F] =	sst s1;
	(tag) =	ssettag s2;
	_ =	strace s9  }
0x27: {  	s1 =	sld [smem:$0x3FAF]  }
0x28: {  	s2 =	sld [smem:$0x3FB0]  }
0x29: {  	s4 =	sld [smem:$0x3FB2]  }
0x2a: {  	p0 =	seq.s32 s5, $0x0;
	s5 =	sld [smem:$0x3FB3]  }
0x2b: {  	s6 =	sld [smem:$0x3FB4]  }
0x2c: {  	s7 =	sld [smem:$0x3FB5]  }
0x2d: {  	s3 =	simm.s32 $0x108;
	s8 =	sld [smem:$0x3FB6]  }
0x2e: {  	s3 =	simm.s32 @!p0 $0x1082;
	s9 =	sld [smem:$0x3FB7]  }
0x2f: {  	lr =	sadd.s32 s0, s3;
	s0 =	sld [smem:$0x3FAE]  }
0x30: {  	s3 =	sld [smem:$0x3FB1]  }
0x31: {  	[smem:$0x3FBA] =	sst s10  }
0x32: {  	s10 =	sld [smem:$0x3FB8];
	_ =	sdelay $0x3  }
0x33: {  	p0 =	seq.s32 s10, $0x1;
	s10 =	sld [smem:$0x3FBA];
	_ =	sdelay $0x3  }
0x34: {  	[smem:$0x3FBA] =	sst s10  }
0x35: {  	s10 =	sld [smem:$0x3FB9];
	_ =	sdelay $0x3  }
0x36: {  	p1 =	seq.s32 s10, $0x1;
	s10 =	sld [smem:$0x3FBA];
	_ =	sdelay $0x3  }
0x37: {  	[smem:$0x3FBA] =	sst s10  }
0x38: {  	s10 =	sld [smem:$0x3FBB]  }
0x39: {  	_ = 	snop;
	(pc) =	sbr.ind lr, $3  }
0x3a: {  	_ = 	snop  }
0x3b: {  	_ = 	snop  }
0x3c: {  	p2 =	seq.s32 s10, $0x1;
	s10 =	sld [smem:$0x3FBA]  }
0x3d: {  	_ =	shalt  }
0x3e: {  	_ =	shalt  }
0x3f: {  	_ =	shalt  }
0x40: {  	_ =	shalt  }
0x41: {  	_ =	shalt  }
0x42: {  	_ =	shalt  }
0x43: {  	_ =	shalt  }
0x44: {  	_ =	shalt  }
0x45: {  	_ =	shalt  }
0x46: {  	_ =	shalt  }
0x47: {  	_ =	shalt  }
0x48: {  	_ =	shalt  }
0x49: {  	_ =	shalt  }
0x4a: {  	_ =	shalt  }
0x4b: {  	_ =	shalt  }
0x4c: {  	_ =	shalt  }
0x4d: {  	_ =	shalt  }
0x4e: {  	_ =	shalt  }
0x4f: {  	_ =	shalt  }
0x50: {  	_ =	shalt  }
0x51: {  	_ =	shalt  }
0x52: {  	_ =	shalt  }
0x53: {  	_ =	shalt  }
0x54: {  	_ =	shalt  }
0x55: {  	_ =	shalt  }
0x56: {  	_ =	shalt  }
0x57: {  	_ =	shalt  }
0x58: {  	_ =	shalt  }
0x59: {  	_ =	shalt  }
0x5a: {  	_ =	shalt  }
0x5b: {  	_ =	shalt  }
0x5c: {  	_ =	shalt  }
0x5d: {  	_ =	shalt  }
0x5e: {  	_ =	shalt  }
0x5f: {  	_ =	shalt  }
0x60: {  	_ =	shalt  }
0x61: {  	_ =	shalt  }
0x62: {  	_ =	shalt  }
0x63: {  	_ =	shalt  }
0x64: {  	_ =	shalt  }
0x65: {  	_ =	shalt  }
0x66: {  	_ =	shalt  }
0x67: {  	_ =	shalt  }
0x68: {  	_ =	shalt  }
0x69: {  	_ =	shalt  }
0x6a: {  	_ =	shalt  }
0x6b: {  	_ =	shalt  }
0x6c: {  	_ =	shalt  }
0x6d: {  	_ =	shalt  }
0x6e: {  	_ =	shalt  }
0x6f: {  	_ =	shalt  }
0x70: {  	_ =	shalt  }
0x71: {  	_ =	shalt  }
0x72: {  	_ =	shalt  }
0x73: {  	_ =	shalt  }
0x74: {  	_ =	shalt  }
0x75: {  	_ =	shalt  }
0x76: {  	_ =	shalt  }
0x77: {  	_ =	shalt  }
0x78: {  	_ =	shalt  }
0x79: {  	_ =	shalt  }
0x7a: {  	_ =	shalt  }
0x7b: {  	_ =	shalt  }
0x7c: {  	_ =	shalt  }
0x7d: {  	_ =	shalt  }
0x7e: {  	_ =	shalt  }
0x7f: {  	_ =	shalt  }
0x80: {  	_ =	shalt  }
0x81: {  	_ =	shalt  }
0x82: {  	_ =	shalt  }
0x83: {  	_ =	shalt  }
0x84: {  	_ =	shalt  }
0x85: {  	_ =	shalt  }
0x86: {  	_ =	shalt  }
0x87: {  	_ =	shalt  }
.Lfunc_end0:
.L_simem_size_0:
called_computation_lowered:
.L_overlay_start_0:
0x88: {  	s2 =	sld [smem:$0x3FD9]  }
0x89: {  	s3 =	sld [smem:$0x3FFE];
	_ =	sdelay $0x1  }
0x8a: {  	s1 =	srdreg.scid  }
0x8b: {  	s0 =	sand.u32 $0x1, s1  }
0x8c: {  	s18 =	sshll.u32 s0, $0xA;
	s2 =	sadd.s32 s3, s2  }
0x8d: {  	s2 =	sadd.s32 s2, s18  }
0x8e: {  	[smem:$0x3FC6] =	sst s2  }
0x8f: {  	_ = 	snop  }
0x90: {  	s2 =	sld [smem:$0x3FC9]  }
0x91: {  	s19 =	sld [smem:$0x3FC8]  }
0x92: {  	s4 =	sld [smem:$0x3FD0];
	(tm) =	ssettm $0x1  }
0x93: {  	s5 =	sld [smem:$0x3FFB];
	_ =	sdelay $0x3  }
0x94: {  	_ =	strace s5  }
0x95: {  	s5 =	sld [smem:$0x3FFC];
	_ =	sdelay $0x3  }
0x96: {  	_ =	strace s5  }
0x97: {  	s5 =	sld [smem:$0x3FFD];
	_ =	sdelay $0x3  }
0x98: {  	_ =	strace s5  }
0x99: {  	_ =	strace $0x8FFFFFFF  }
0x9a: {  	s20 =	sld [smem:$0x3FDB];
	_ =	sdelay $0x1  }
0x9b: {  	s6 =	simm.s32 $_scs_section_size  }
0x9c: {  	s7 =	simm.s32 $_size__tile_overlayer_lowered;
	s8 =	simm.s32 $_tile_overlayer_lowered  }
0x9d: {  	s23 =	simm.s32 $0x1BFF;
	s22 =	sshll.u32 s8, $0x1;
	s5 =	sadd.s32 s6, s20  }
0x9e: {  	s9 =	simm.s32 $0x0;
	s21 =	sshll.u32 s7, $0x1;
	s7 =	sadd.s32 s22, s5  }
0x9f: {  	[timem:s9], [sflag:s23] =	dma.local [hbm:s7], s21  }
0xa0: {  	_ =	swait.ge [sflag:s23], s21  }
0xa1: {  	s6 =	ssub.s32 $0x0, s21;
	[sflag:s23] =	ssyncset.done $0x0  }
0xa2: {  	[sflag:s23] =	ssyncadd.s32 s6;
	_ =	sdelay $0x1  }
0xa3: {  	s24 =	simm.s32 $0x1B8B  }
0xa4: {  	_ =	swait.ge [sflag:s24], $0x1  }
0xa5: {  	[sflag:s24] =	ssyncset.done $0x0  }
0xa6: {  	s25 =	simm.s32 $0x1B8E;
	[sflag:s24] =	ssyncadd.s32 $0xFFFFFFFF  }
0xa7: {  	s26 =	simm.s32 $execute0_lowered;
	[smem:$0x3FD2] =	sst s25  }
0xa8: {  	s6 =	sshll.u32 s26, $0x1;
	_ =	strace $0x80000046;
	[dreg:$0x1] =	wrdreg $0xFFFFFFFF  }
0xa9: {  	s28 =	simm.s32 $_size_execute0_lowered;
	s5 =	sadd.s32 s5, s6;
	[dreg:$0x0] =	wrdreg $0x0  }
0xaa: {  	s6 =	sshll.u32 s28, $0x1;
	[dreg:$0x2] =	wrdreg s5  }
0xab: {  	[dreg:$0x3] =	wrdreg s6  }
0xac: {  	[dreg:$0x4] =	wrdreg $0xC0  }
0xad: {  	_ =	task [dreg:s9], $0x5FFFF  }
0xae: {  	[dreg:$0x1] =	wrdreg $0xFFFFFFFF  }
0xaf: {  	[dreg:$0x0] =	wrdreg $0x60  }
0xb0: {  	[dreg:$0x2] =	wrdreg s2  }
0xb1: {  	[dreg:$0x3] =	wrdreg s19  }
0xb2: {  	[dreg:$0x4] =	wrdreg s4  }
0xb3: {  	[dreg:$0x5] =	wrdreg $0x9  }
0xb4: {  	_ =	task.clear_ibuf [dreg:s9], $0x6FFFF;
	_ =	strace $0x90000046  }
0xb5: {  	s29 =	simm.s32 $0x9;
	_ =	strace $0x80000048  }
0xb6: {  	_ =	swait.ge [sflag:s29], $0x1  }
0xb7: {  	[sflag:s29] =	ssyncadd.s32 $0xFFFFFFFF  }
0xb8: {  	_ =	strace $0x90000048  }
0xb9: {  	_ =	sfence  }
0xba: {  	s30 =	sld [smem:$0x0];
	_ =	sdelay $0x2  }
0xbb: {  	s31 =	sshll.u32 s1, $0xD;
	s1 =	sshrl.u32 s1, $0x2  }
0xbc: {  	s3 =	sand.u32 $0x4000, s31;
	s1 =	sadd.s32 s1, s30  }
0xbd: {  	s0 =	sor.u32 s3, s0;
	s1 =	sshll.u32 s1, $0x11  }
0xbe: {  	s0 =	sor.u32 s1, s0  }
0xbf: {  	s0 =	sadd.s32 $0x8F2B, s0  }
0xc0: {  	[sflag:s0] =	ssyncadd.remote.s32 $0x1  }
0xc1: {  	_ =	sfence.sel $0xFFFF  }
0xc2: {  	[dreg:$0x0] =	wrdreg $0xFFFFFFFF;
	(pc) =	sbr.abs _section_cstart, $3  }
0xc3: {  	[dreg:$0x1] =	wrdreg $0xFFFFFFFF  }
0xc4: {  	_ =	task.clear_ibuf [dreg:s9], $0x2FFFF;
	_ =	strace $0x9FFFFFFF  }
0xc5: {  	(tm) =	ssettm $0x7FFFFFFF  }
tec
execute0_lowered:
.L_overlay_start_1:
0x0: {  	(tag) =	ssettag $0x1  }
0x1: {  	s0 =	rddreg [dreg:$0x0]  }
0x2: {  	s1 =	rddreg [dreg:$0x1]  }
0x3: {  	s3 =	rddreg [dreg:$0x2]  }
0x4: {  	s29 =	rddreg [dreg:$0x3];
	s2 =	srdreg.scid  }
0x5: {  	s30 =	stileid.u32;
	p1 =	por $0x0, $0x0;
	[dreg:$0x4] =	wrdreg s1  }
0x6: {  	s4 =	sand.u32 $0x1, s2;
	s5 =	sshll.u32 s30, $0x1;
	s6 =	sshrl.u32 s30, $0x2  }
0x7: {  	s2 =	simm.s32 $0x0;
	s5 =	sor.u32 s4, s5;
	s6 =	smul.u32 $0x1010, s6  }
0x8: {  	p0 =	sgt.u32 s30, $0x1;
	[smem:$0x7FF] =	sst s2;
	s8 =	smul.u32 $0x80800, s5  }
0x9: {  	s4 =	ssub.s32 $0x2, s4;
	s7 =	sshll.u32 s5, $0x9;
	s5 =	sshll.u32 s5, $0x10  }
0xa: {  	_ =	strace $0x80000047;
	s31 =	sadd.s32 s0, s5;
	s20 =	sadd.s32 s3, s8  }
0xb: {  	s14 =	sshrl.u32 s4, $0x1;
	s22 =	sadd.s32 $0x1000, s31;
	[dreg:$0x5] =	wrdreg s20  }
0xc: {  	s7 =	sand.u32 $0xE00, s7;
	s23 =	sadd.s32 $0x2000, s31;
	[dreg:$0x6] =	wrdreg s22  }
0xd: {  	s16 =	ssub.s32 s4, s14;
	s25 =	sadd.s32 $0x3000, s31;
	[dreg:$0x7] =	wrdreg s23  }
0xe: {  	s6 =	sadd.s32 s7, s6;
	s1 =	sadd.s32 $0x4000, s31;
	[dreg:$0x9] =	wrdreg s25  }
0xf: {  	s8 =	sadd.s32 $0x6000, s31;
	s10 =	sadd.s32 $0x7000, s31;
	[dreg:$0xb] =	wrdreg s1  }
0x10: {  	s12 =	sadd.s32 $0x8000, s31;
	s15 =	sadd.s32 $0x9000, s31;
	[dreg:$0xf] =	wrdreg s8  }
0x11: {  	s18 =	sadd.s32 $0xD000, s31;
	s14 =	sadd.s32 $0xE000, s31;
	[dreg:$0x11] =	wrdreg s10  }
0x12: {  	s21 =	sshll.u32 s6, $0x7;
	s6 =	sadd.s32 $0x5000, s31;
	[dreg:$0x13] =	wrdreg s12  }
0x13: {  	[dreg:$0x15] =	wrdreg s15;
	s22 =	sadd.s32 $0xB000, s31;
	s20 =	sadd.s32 $0xC000, s31  }
0x14: {  	s12 =	simm.s32 $0x8000;
	s10 =	simm.s32 $0x10000;
	s15 =	simm.s32 $0x2  }
0x15: {  	s8 =	simm.s32 $0x5;
	s3 =	sadd.s32 s3, s21;
	[dreg:$0xd] =	wrdreg s6  }
0x16: {  	s24 =	sadd.s32 $0x800, s3;
	s26 =	sadd.s32 $0x1800, s3;
	s5 =	sadd.s32 $0x2800, s3  }
0x17: {  	s7 =	sadd.s32 $0x3800, s3;
	s9 =	sadd.s32 $0x4800, s3;
	s11 =	sadd.s32 $0x5800, s3  }
0x18: {  	s13 =	sadd.s32 $0x6800, s3;
	s25 =	sadd.s32 $0x7800, s3;
	[dreg:$0x8] =	wrdreg s24  }
0x19: {  	s23 =	sadd.s32 $0x8800, s3;
	[dreg:$0xa] =	wrdreg s26;
	s26 =	smax.u32 s16, $0x1  }
0x1a: {  	s21 =	sadd.s32 $0x9800, s3;
	[dreg:$0xc] =	wrdreg s5;
	s26 =	sadd.s32 $0xFFFFFFFF, s26  }
0x1b: {  	s19 =	sadd.s32 $0xA800, s3;
	[dreg:$0xe] =	wrdreg s7;
	p2 =	sne.s32 s26, $0x0  }
.Ltmp0:
0x1c: {  	s17 =	sadd.s32 $0xB800, s3;
	[dreg:$0x10] =	wrdreg s9;
	(pc) =	sbr.rel @!p2 .LBB2_5-.Ltmp0, $4  }
0x1d: {  	s6 =	sadd.s32 $0xD800, s3;
	s4 =	sadd.s32 $0xF800, s3;
	[dreg:$0x12] =	wrdreg s11  }
0x1e: {  	[dreg:$0x14] =	wrdreg s13;
	s24 =	sadd.s32 $0xA000, s31;
	s13 =	sadd.s32 $0xC800, s3  }
0x1f: {  	s11 =	sadd.s32 $0xF000, s31;
	s5 =	sadd.s32 $0xE800, s3;
	s7 =	simm.s32 $0x1  }
0x20: {  	s3 =	simm.s32 $0x4;
	s16 =	simm.s32 $0x3;
	s9 =	simm.s32 $0x6  }
0x21: {  	s0 =	simm.s32 @p0 $0x0  }
0x22: {  	[tilespmem:s0], [sflag:$0x1] =	stream.linear.gather @p0 [hbm4b:s31+s0], $0x8000, $0x38;
	[tilespmem:$0x1C000] =	vst v63  }
0x23: {  	s28 =	rddreg [dreg:$0x4];
	s30 =	simm.s32 @!p0 $0x0;
	s29 =	simm.s32 @!p0 $0x18000  }
0x24: {  	[tilespmem:s29], [sflag:$0x7] =	stream.linear.gather @!p0 [hbm4b:s28+s30], $0x4000, $0x38;
	[tilespmem:$0x1C000] =	vst v63  }
0x25: {  	s28 =	simm.s32 @!p0 $0x7  }
0x26: {  	[tilespmem:s30], [sflag:$0x1] =	stream.linear.gather @!p0 [hbm4b:s31+s30], $0x8000, $0x38;
	[tilespmem:$0x1C000] =	vst v63  }
0x27: {  	_ =	swait.ge @!p0 [sflag:s28], $0x4000  }
0x28: {  	[sflag:s28] =	ssyncset.done @!p0 $0x0  }
0x29: {  	s1 =	rddreg [dreg:$0x5];
	[sflag:s28] =	ssyncadd.s32 @!p0 $0xFFFFC000  }
0x2a: {  	[hbm4b:s1+s30] =	stream.linear.scatter @!p0 [tilespmem:s29], [sflag:$0x7], $0x4000, $0x38;
	[tilespmem:$0x1C000] =	vst v63  }
0x2b: {  	s0 =	rddreg [dreg:$0x6]  }
0x2c: {  	[tilespmem:s12], [sflag:$0x2] =	stream.linear.gather [hbm4b:s0+s2], $0x8000, $0x38;
	[tilespmem:$0x1C000] =	vst v63  }
0x2d: {  	s30 =	rddreg [dreg:$0x7]  }
0x2e: {  	[tilespmem:s10], [sflag:$0x3] =	stream.linear.gather [hbm4b:s30+s2], $0x8000, $0x38;
	[tilespmem:$0x1C000] =	vst v63  }
0x2f: {  	_ =	swait.ge [sflag:s7], $0x8000  }
0x30: {  	[sflag:s7] =	ssyncset.done $0x0  }
0x31: {  	s29 =	rddreg [dreg:$0x8];
	[sflag:s7] =	ssyncadd.s32 $0xFFFF8000  }
0x32: {  	[hbm4b:s29+s2] =	stream.linear.scatter [tilespmem:s2], [sflag:$0x4], $0x8000, $0x38;
	[tilespmem:$0x1C000] =	vst v63  }
0x33: {  	_ =	swait.ge [sflag:s3], $0x8000  }
0x34: {  	[sflag:s3] =	ssyncset.done $0x0  }
0x35: {  	s30 =	rddreg [dreg:$0x9];
	[sflag:s3] =	ssyncadd.s32 $0xFFFF8000  }
0x36: {  	[tilespmem:s2], [sflag:$0x1] =	stream.linear.gather [hbm4b:s30+s2], $0x8000, $0x38;
	[tilespmem:$0x1C000] =	vst v63  }
0x37: {  	_ =	swait.ge [sflag:s15], $0x8000  }
0x38: {  	[sflag:s15] =	ssyncset.done $0x0  }
0x39: {  	s1 =	rddreg [dreg:$0xa];
	[sflag:s15] =	ssyncadd.s32 $0xFFFF8000  }
0x3a: {  	[hbm4b:s1+s2] =	stream.linear.scatter [tilespmem:s12], [sflag:$0x5], $0x8000, $0x38;
	[tilespmem:$0x1C000] =	vst v63  }
0x3b: {  	_ =	swait.ge [sflag:s8], $0x8000  }
0x3c: {  	[sflag:s8] =	ssyncset.done $0x0  }
0x3d: {  	s29 =	rddreg [dreg:$0xb];
	[sflag:s8] =	ssyncadd.s32 $0xFFFF8000  }
0x3e: {  	[tilespmem:s12], [sflag:$0x2] =	stream.linear.gather [hbm4b:s29+s2], $0x8000, $0x38;
	[tilespmem:$0x1C000] =	vst v63  }
0x3f: {  	_ =	swait.ge [sflag:s16], $0x8000  }
0x40: {  	[sflag:s16] =	ssyncset.done $0x0  }
0x41: {  	s30 =	rddreg [dreg:$0xc];
	[sflag:s16] =	ssyncadd.s32 $0xFFFF8000  }
0x42: {  	[hbm4b:s30+s2] =	stream.linear.scatter [tilespmem:s10], [sflag:$0x6], $0x8000, $0x38;
	[tilespmem:$0x1C000] =	vst v63  }
0x43: {  	_ =	swait.ge [sflag:s9], $0x8000  }
0x44: {  	[sflag:s9] =	ssyncset.done $0x0  }
0x45: {  	s1 =	rddreg [dreg:$0xd];
	[sflag:s9] =	ssyncadd.s32 $0xFFFF8000  }
0x46: {  	[tilespmem:s10], [sflag:$0x3] =	stream.linear.gather [hbm4b:s1+s2], $0x8000, $0x38;
	[tilespmem:$0x1C000] =	vst v63  }
0x47: {  	_ =	swait.ge [sflag:s7], $0x8000  }
0x48: {  	[sflag:s7] =	ssyncset.done $0x0  }
0x49: {  	s29 =	rddreg [dreg:$0xe];
	[sflag:s7] =	ssyncadd.s32 $0xFFFF8000  }
0x4a: {  	[hbm4b:s29+s2] =	stream.linear.scatter [tilespmem:s2], [sflag:$0x4], $0x8000, $0x38;
	[tilespmem:$0x1C000] =	vst v63  }
0x4b: {  	_ =	swait.ge [sflag:s3], $0x8000  }
0x4c: {  	[sflag:s3] =	ssyncset.done $0x0  }
0x4d: {  	s30 =	rddreg [dreg:$0xf];
	[sflag:s3] =	ssyncadd.s32 $0xFFFF8000  }
0x4e: {  	[tilespmem:s2], [sflag:$0x1] =	stream.linear.gather [hbm4b:s30+s2], $0x8000, $0x38;
	[tilespmem:$0x1C000] =	vst v63  }
0x4f: {  	_ =	swait.ge [sflag:s15], $0x8000  }
0x50: {  	[sflag:s15] =	ssyncset.done $0x0  }
0x51: {  	s1 =	rddreg [dreg:$0x10];
	[sflag:s15] =	ssyncadd.s32 $0xFFFF8000  }
0x52: {  	[hbm4b:s1+s2] =	stream.linear.scatter [tilespmem:s12], [sflag:$0x5], $0x8000, $0x38;
	[tilespmem:$0x1C000] =	vst v63  }
0x53: {  	_ =	swait.ge [sflag:s8], $0x8000  }
0x54: {  	[sflag:s8] =	ssyncset.done $0x0  }
0x55: {  	s29 =	rddreg [dreg:$0x11];
	[sflag:s8] =	ssyncadd.s32 $0xFFFF8000  }
0x56: {  	[tilespmem:s12], [sflag:$0x2] =	stream.linear.gather [hbm4b:s29+s2], $0x8000, $0x38;
	[tilespmem:$0x1C000] =	vst v63  }
0x57: {  	_ =	swait.ge [sflag:s16], $0x8000  }
0x58: {  	[sflag:s16] =	ssyncset.done $0x0  }
0x59: {  	s30 =	rddreg [dreg:$0x12];
	[sflag:s16] =	ssyncadd.s32 $0xFFFF8000  }
0x5a: {  	[hbm4b:s30+s2] =	stream.linear.scatter [tilespmem:s10], [sflag:$0x6], $0x8000, $0x38;
	[tilespmem:$0x1C000] =	vst v63  }
0x5b: {  	_ =	swait.ge [sflag:s9], $0x8000  }
0x5c: {  	[sflag:s9] =	ssyncset.done $0x0  }
0x5d: {  	s1 =	rddreg [dreg:$0x13];
	[sflag:s9] =	ssyncadd.s32 $0xFFFF8000  }
0x5e: {  	[tilespmem:s10], [sflag:$0x3] =	stream.linear.gather [hbm4b:s1+s2], $0x8000, $0x38;
	[tilespmem:$0x1C000] =	vst v63  }
0x5f: {  	_ =	swait.ge [sflag:s7], $0x8000  }
0x60: {  	[sflag:s7] =	ssyncset.done $0x0  }
0x61: {  	s29 =	rddreg [dreg:$0x14];
	[sflag:s7] =	ssyncadd.s32 $0xFFFF8000  }
0x62: {  	[hbm4b:s29+s2] =	stream.linear.scatter [tilespmem:s2], [sflag:$0x4], $0x8000, $0x38;
	[tilespmem:$0x1C000] =	vst v63  }
0x63: {  	_ =	swait.ge [sflag:s3], $0x8000  }
0x64: {  	[sflag:s3] =	ssyncset.done $0x0  }
0x65: {  	s30 =	rddreg [dreg:$0x15];
	[sflag:s3] =	ssyncadd.s32 $0xFFFF8000  }
0x66: {  	[tilespmem:s2], [sflag:$0x1] =	stream.linear.gather [hbm4b:s30+s2], $0x8000, $0x38;
	[tilespmem:$0x1C000] =	vst v63  }
0x67: {  	_ =	swait.ge [sflag:s15], $0x8000  }
0x68: {  	[sflag:s15] =	ssyncset.done $0x0  }
0x69: {  	[sflag:s15] =	ssyncadd.s32 $0xFFFF8000  }
0x6a: {  	[hbm4b:s25+s2] =	stream.linear.scatter [tilespmem:s12], [sflag:$0x5], $0x8000, $0x38;
	[tilespmem:$0x1C000] =	vst v63  }
0x6b: {  	_ =	swait.ge [sflag:s8], $0x8000  }
0x6c: {  	[sflag:s8] =	ssyncset.done $0x0  }
0x6d: {  	[sflag:s8] =	ssyncadd.s32 $0xFFFF8000  }
0x6e: {  	[tilespmem:s12], [sflag:$0x2] =	stream.linear.gather [hbm4b:s24+s2], $0x8000, $0x38;
	[tilespmem:$0x1C000] =	vst v63  }
0x6f: {  	_ =	swait.ge [sflag:s16], $0x8000  }
0x70: {  	[sflag:s16] =	ssyncset.done $0x0  }
0x71: {  	[sflag:s16] =	ssyncadd.s32 $0xFFFF8000  }
0x72: {  	[hbm4b:s23+s2] =	stream.linear.scatter [tilespmem:s10], [sflag:$0x6], $0x8000, $0x38;
	[tilespmem:$0x1C000] =	vst v63  }
0x73: {  	_ =	swait.ge [sflag:s9], $0x8000  }
0x74: {  	[sflag:s9] =	ssyncset.done $0x0  }
0x75: {  	[sflag:s9] =	ssyncadd.s32 $0xFFFF8000  }
0x76: {  	[tilespmem:s10], [sflag:$0x3] =	stream.linear.gather [hbm4b:s22+s2], $0x8000, $0x38;
	[tilespmem:$0x1C000] =	vst v63  }
0x77: {  	_ =	swait.ge [sflag:s7], $0x8000  }
0x78: {  	[sflag:s7] =	ssyncset.done $0x0  }
0x79: {  	[sflag:s7] =	ssyncadd.s32 $0xFFFF8000  }
0x7a: {  	[hbm4b:s21+s2] =	stream.linear.scatter [tilespmem:s2], [sflag:$0x4], $0x8000, $0x38;
	[tilespmem:$0x1C000] =	vst v63  }
0x7b: {  	_ =	swait.ge [sflag:s3], $0x8000  }
0x7c: {  	[sflag:s3] =	ssyncset.done $0x0  }
0x7d: {  	[sflag:s3] =	ssyncadd.s32 $0xFFFF8000  }
0x7e: {  	[tilespmem:s2], [sflag:$0x1] =	stream.linear.gather [hbm4b:s20+s2], $0x8000, $0x38;
	[tilespmem:$0x1C000] =	vst v63  }
0x7f: {  	_ =	swait.ge [sflag:s15], $0x8000  }
0x80: {  	[sflag:s15] =	ssyncset.done $0x0  }
0x81: {  	[sflag:s15] =	ssyncadd.s32 $0xFFFF8000  }
0x82: {  	[hbm4b:s19+s2] =	stream.linear.scatter [tilespmem:s12], [sflag:$0x5], $0x8000, $0x38;
	[tilespmem:$0x1C000] =	vst v63  }
0x83: {  	_ =	swait.ge [sflag:s8], $0x8000  }
0x84: {  	[sflag:s8] =	ssyncset.done $0x0  }
0x85: {  	[sflag:s8] =	ssyncadd.s32 $0xFFFF8000  }
0x86: {  	[tilespmem:s12], [sflag:$0x2] =	stream.linear.gather [hbm4b:s18+s2], $0x8000, $0x38;
	[tilespmem:$0x1C000] =	vst v63  }
0x87: {  	_ =	swait.ge [sflag:s16], $0x8000  }
0x88: {  	[sflag:s16] =	ssyncset.done $0x0  }
0x89: {  	[sflag:s16] =	ssyncadd.s32 $0xFFFF8000  }
0x8a: {  	[hbm4b:s17+s2] =	stream.linear.scatter [tilespmem:s10], [sflag:$0x6], $0x8000, $0x38;
	[tilespmem:$0x1C000] =	vst v63  }
0x8b: {  	_ =	swait.ge [sflag:s9], $0x8000  }
0x8c: {  	[sflag:s9] =	ssyncset.done $0x0  }
0x8d: {  	[sflag:s9] =	ssyncadd.s32 $0xFFFF8000  }
0x8e: {  	[tilespmem:s10], [sflag:$0x3] =	stream.linear.gather [hbm4b:s14+s2], $0x8000, $0x38;
	[tilespmem:$0x1C000] =	vst v63  }
0x8f: {  	_ =	swait.ge [sflag:s7], $0x8000  }
0x90: {  	[sflag:s7] =	ssyncset.done $0x0  }
0x91: {  	[sflag:s7] =	ssyncadd.s32 $0xFFFF8000  }
0x92: {  	[hbm4b:s13+s2] =	stream.linear.scatter [tilespmem:s2], [sflag:$0x4], $0x8000, $0x38;
	[tilespmem:$0x1C000] =	vst v63  }
0x93: {  	_ =	swait.ge [sflag:s3], $0x8000  }
0x94: {  	[sflag:s3] =	ssyncset.done $0x0  }
0x95: {  	[sflag:s3] =	ssyncadd.s32 $0xFFFF8000  }
0x96: {  	[tilespmem:s2], [sflag:$0x1] =	stream.linear.gather [hbm4b:s11+s2], $0x8000, $0x38;
	[tilespmem:$0x1C000] =	vst v63  }
0x97: {  	_ =	swait.ge [sflag:s15], $0x8000  }
0x98: {  	[sflag:s15] =	ssyncset.done $0x0  }
0x99: {  	[sflag:s15] =	ssyncadd.s32 $0xFFFF8000  }
0x9a: {  	[hbm4b:s6+s2] =	stream.linear.scatter [tilespmem:s12], [sflag:$0x5], $0x8000, $0x38;
	[tilespmem:$0x1C000] =	vst v63  }
0x9b: {  	_ =	swait.ge [sflag:s16], $0x8000  }
0x9c: {  	[sflag:s16] =	ssyncset.done $0x0  }
0x9d: {  	[sflag:s16] =	ssyncadd.s32 $0xFFFF8000  }
0x9e: {  	[hbm4b:s5+s2] =	stream.linear.scatter [tilespmem:s10], [sflag:$0x6], $0x8000, $0x38;
	[tilespmem:$0x1C000] =	vst v63  }
0x9f: {  	_ =	swait.ge [sflag:s7], $0x8000  }
0xa0: {  	[sflag:s7] =	ssyncset.done $0x0  }
0xa1: {  	[sflag:s7] =	ssyncadd.s32 $0xFFFF8000  }
0xa2: {  	[hbm4b:s4+s2] =	stream.linear.scatter [tilespmem:s2], [sflag:$0x4], $0x8000, $0x38;
	[tilespmem:$0x1C000] =	vst v63  }
0xa3: {  	_ =	swait.ge [sflag:s8], $0x8000  }
0xa4: {  	[sflag:s8] =	ssyncset.done $0x0  }
0xa5: {  	[sflag:s8] =	ssyncadd.s32 $0xFFFF8000  }
0xa6: {  	_ =	swait.ge [sflag:s9], $0x8000  }
0xa7: {  	s0 =	sadd.s32 $0xFFFFFFFF, s26;
	[sflag:s9] =	ssyncset.done $0x0  }
0xa8: {  	p2 =	sne.s32 s0, $0x0;
	[sflag:s9] =	ssyncadd.s32 $0xFFFF8000  }
.Ltmp1:
0xa9: {  	_ =	swait.ge [sflag:s3], $0x8000;
	(pc) =	sbr.rel @!p2 .LBB2_2-.Ltmp1, $4  }
0xaa: {  	[sflag:s3] =	ssyncset.done $0x0  }
0xab: {  	[sflag:s3] =	ssyncadd.s32 $0xFFFF8000  }
0xac: {  	_ =	swait.ge @!p0 [sflag:s28], $0x4000  }
0xad: {  	p1 =	por $0x1, $0x1;
	[sflag:s28] =	ssyncset.done @!p0 $0x0  }
.LBB2_3:
0xae: {  	[sflag:s28] =	ssyncadd.s32 @!p0 $0xFFFFC000;
	s29 =	simm.s32 @p0 $0x0  }
0xaf: {  	[tilespmem:s29], [sflag:$0x1] =	stream.linear.gather @p0 [hbm4b:s31+s29], $0x8000, $0x38;
	[tilespmem:$0x1C000] =	vst v63  }
0xb0: {  	s1 =	rddreg [dreg:$0x4];
	s30 =	simm.s32 @!p0 $0x18000;
	s26 =	simm.s32 @!p0 $0x0  }
0xb1: {  	[tilespmem:s30], [sflag:$0x7] =	stream.linear.gather @!p0 [hbm4b:s1+s26], $0x4000, $0x38;
	[tilespmem:$0x1C000] =	vst v63  }
0xb2: {  	_ = 	snop  }
0xb3: {  	[tilespmem:s26], [sflag:$0x1] =	stream.linear.gather @!p0 [hbm4b:s31+s26], $0x8000, $0x38;
	[tilespmem:$0x1C000] =	vst v63  }
0xb4: {  	s10 =	smov.u32 s31;
	s31 =	smov.u32 s25;
	s25 =	smov.u32 s24  }
0xb5: {  	s24 =	smov.u32 s23;
	s23 =	smov.u32 s22;
	s22 =	smov.u32 s21  }
0xb6: {  	s21 =	smov.u32 s20;
	s20 =	smov.u32 s19;
	s19 =	smov.u32 s18  }
0xb7: {  	s18 =	smov.u32 s17;
	s17 =	smov.u32 s14;
	_ =	swait.ge @!p0 [sflag:s28], $0x4000  }
0xb8: {  	s14 =	smov.u32 s13;
	s13 =	smov.u32 s11;
	[sflag:s28] =	ssyncset.done @!p0 $0x0  }
0xb9: {  	s11 =	smov.u32 s6;
	s1 =	rddreg [dreg:$0x5];
	[sflag:s28] =	ssyncadd.s32 @!p0 $0xFFFFC000  }
0xba: {  	[hbm4b:s1+s26] =	stream.linear.scatter @!p0 [tilespmem:s30], [sflag:$0x7], $0x4000, $0x38;
	[tilespmem:$0x1C000] =	vst v63  }
0xbb: {  	s6 =	smov.u32 s5;
	s5 =	smov.u32 s4;
	s4 =	rddreg [dreg:$0x6]  }
0xbc: {  	[tilespmem:s12], [sflag:$0x2] =	stream.linear.gather [hbm4b:s4+s2], $0x8000, $0x38;
	[tilespmem:$0x1C000] =	vst v63  }
0xbd: {  	s29 =	rddreg [dreg:$0x7];
	s4 =	smov.u32 s5;
	s5 =	smov.u32 s6  }
0xbe: {  	s6 =	smov.u32 s11;
	s11 =	smov.u32 s13;
	s13 =	smov.u32 s14  }
0xbf: {  	s14 =	smov.u32 s17;
	s17 =	smov.u32 s18;
	s18 =	smov.u32 s19  }
0xc0: {  	s19 =	smov.u32 s20;
	s20 =	smov.u32 s21;
	s21 =	smov.u32 s22  }
0xc1: {  	s22 =	smov.u32 s23;
	s23 =	smov.u32 s24;
	s24 =	smov.u32 s25  }
0xc2: {  	s25 =	smov.u32 s31;
	s31 =	smov.u32 s10;
	s10 =	simm.s32 $0x10000  }
0xc3: {  	[tilespmem:s10], [sflag:$0x3] =	stream.linear.gather [hbm4b:s29+s2], $0x8000, $0x38;
	[tilespmem:$0x1C000] =	vst v63  }
0xc4: {  	_ =	swait.ge [sflag:s7], $0x8000  }
0xc5: {  	[sflag:s7] =	ssyncset.done $0x0  }
0xc6: {  	s29 =	rddreg [dreg:$0x8];
	[sflag:s7] =	ssyncadd.s32 $0xFFFF8000  }
0xc7: {  	[hbm4b:s29+s2] =	stream.linear.scatter [tilespmem:s2], [sflag:$0x4], $0x8000, $0x38;
	[tilespmem:$0x1C000] =	vst v63  }
0xc8: {  	_ =	swait.ge [sflag:s3], $0x8000  }
0xc9: {  	[sflag:s3] =	ssyncset.done $0x0  }
0xca: {  	s30 =	rddreg [dreg:$0x9];
	[sflag:s3] =	ssyncadd.s32 $0xFFFF8000  }
0xcb: {  	[tilespmem:s2], [sflag:$0x1] =	stream.linear.gather [hbm4b:s30+s2], $0x8000, $0x38;
	[tilespmem:$0x1C000] =	vst v63  }
0xcc: {  	_ =	swait.ge [sflag:s15], $0x8000  }
0xcd: {  	[sflag:s15] =	ssyncset.done $0x0  }
0xce: {  	s26 =	rddreg [dreg:$0xa];
	[sflag:s15] =	ssyncadd.s32 $0xFFFF8000  }
0xcf: {  	[hbm4b:s26+s2] =	stream.linear.scatter [tilespmem:s12], [sflag:$0x5], $0x8000, $0x38;
	[tilespmem:$0x1C000] =	vst v63  }
0xd0: {  	_ =	swait.ge [sflag:s8], $0x8000  }
0xd1: {  	[sflag:s8] =	ssyncset.done $0x0  }
0xd2: {  	s29 =	rddreg [dreg:$0xb];
	[sflag:s8] =	ssyncadd.s32 $0xFFFF8000  }
0xd3: {  	[tilespmem:s12], [sflag:$0x2] =	stream.linear.gather [hbm4b:s29+s2], $0x8000, $0x38;
	[tilespmem:$0x1C000] =	vst v63  }
0xd4: {  	_ =	swait.ge [sflag:s16], $0x8000  }
0xd5: {  	[sflag:s16] =	ssyncset.done $0x0  }
0xd6: {  	s30 =	rddreg [dreg:$0xc];
	[sflag:s16] =	ssyncadd.s32 $0xFFFF8000  }
0xd7: {  	[hbm4b:s30+s2] =	stream.linear.scatter [tilespmem:s10], [sflag:$0x6], $0x8000, $0x38;
	[tilespmem:$0x1C000] =	vst v63  }
0xd8: {  	_ =	swait.ge [sflag:s9], $0x8000  }
0xd9: {  	[sflag:s9] =	ssyncset.done $0x0  }
0xda: {  	s26 =	rddreg [dreg:$0xd];
	[sflag:s9] =	ssyncadd.s32 $0xFFFF8000  }
0xdb: {  	[tilespmem:s10], [sflag:$0x3] =	stream.linear.gather [hbm4b:s26+s2], $0x8000, $0x38;
	[tilespmem:$0x1C000] =	vst v63  }
0xdc: {  	_ =	swait.ge [sflag:s7], $0x8000  }
0xdd: {  	[sflag:s7] =	ssyncset.done $0x0  }
0xde: {  	s29 =	rddreg [dreg:$0xe];
	[sflag:s7] =	ssyncadd.s32 $0xFFFF8000  }
0xdf: {  	[hbm4b:s29+s2] =	stream.linear.scatter [tilespmem:s2], [sflag:$0x4], $0x8000, $0x38;
	[tilespmem:$0x1C000] =	vst v63  }
0xe0: {  	_ =	swait.ge [sflag:s3], $0x8000  }
0xe1: {  	[sflag:s3] =	ssyncset.done $0x0  }
0xe2: {  	s30 =	rddreg [dreg:$0xf];
	[sflag:s3] =	ssyncadd.s32 $0xFFFF8000  }
0xe3: {  	[tilespmem:s2], [sflag:$0x1] =	stream.linear.gather [hbm4b:s30+s2], $0x8000, $0x38;
	[tilespmem:$0x1C000] =	vst v63  }
0xe4: {  	_ =	swait.ge [sflag:s15], $0x8000  }
0xe5: {  	[sflag:s15] =	ssyncset.done $0x0  }
0xe6: {  	s26 =	rddreg [dreg:$0x10];
	[sflag:s15] =	ssyncadd.s32 $0xFFFF8000  }
0xe7: {  	[hbm4b:s26+s2] =	stream.linear.scatter [tilespmem:s12], [sflag:$0x5], $0x8000, $0x38;
	[tilespmem:$0x1C000] =	vst v63  }
0xe8: {  	_ =	swait.ge [sflag:s8], $0x8000  }
0xe9: {  	[sflag:s8] =	ssyncset.done $0x0  }
0xea: {  	s29 =	rddreg [dreg:$0x11];
	[sflag:s8] =	ssyncadd.s32 $0xFFFF8000  }
0xeb: {  	[tilespmem:s12], [sflag:$0x2] =	stream.linear.gather [hbm4b:s29+s2], $0x8000, $0x38;
	[tilespmem:$0x1C000] =	vst v63  }
0xec: {  	_ =	swait.ge [sflag:s16], $0x8000  }
0xed: {  	[sflag:s16] =	ssyncset.done $0x0  }
0xee: {  	s30 =	rddreg [dreg:$0x12];
	[sflag:s16] =	ssyncadd.s32 $0xFFFF8000  }
0xef: {  	[hbm4b:s30+s2] =	stream.linear.scatter [tilespmem:s10], [sflag:$0x6], $0x8000, $0x38;
	[tilespmem:$0x1C000] =	vst v63  }
0xf0: {  	_ =	swait.ge [sflag:s9], $0x8000  }
0xf1: {  	[sflag:s9] =	ssyncset.done $0x0  }
0xf2: {  	s26 =	rddreg [dreg:$0x13];
	[sflag:s9] =	ssyncadd.s32 $0xFFFF8000  }
0xf3: {  	[tilespmem:s10], [sflag:$0x3] =	stream.linear.gather [hbm4b:s26+s2], $0x8000, $0x38;
	[tilespmem:$0x1C000] =	vst v63  }
0xf4: {  	_ =	swait.ge [sflag:s7], $0x8000  }
0xf5: {  	[sflag:s7] =	ssyncset.done $0x0  }
0xf6: {  	s29 =	rddreg [dreg:$0x14];
	[sflag:s7] =	ssyncadd.s32 $0xFFFF8000  }
0xf7: {  	[hbm4b:s29+s2] =	stream.linear.scatter [tilespmem:s2], [sflag:$0x4], $0x8000, $0x38;
	[tilespmem:$0x1C000] =	vst v63  }
0xf8: {  	_ =	swait.ge [sflag:s3], $0x8000  }
0xf9: {  	[sflag:s3] =	ssyncset.done $0x0  }
0xfa: {  	s30 =	rddreg [dreg:$0x15];
	[sflag:s3] =	ssyncadd.s32 $0xFFFF8000  }
0xfb: {  	[tilespmem:s2], [sflag:$0x1] =	stream.linear.gather [hbm4b:s30+s2], $0x8000, $0x38;
	[tilespmem:$0x1C000] =	vst v63  }
0xfc: {  	_ =	swait.ge [sflag:s15], $0x8000  }
0xfd: {  	[sflag:s15] =	ssyncset.done $0x0  }
0xfe: {  	[sflag:s15] =	ssyncadd.s32 $0xFFFF8000  }
0xff: {  	[hbm4b:s25+s2] =	stream.linear.scatter [tilespmem:s12], [sflag:$0x5], $0x8000, $0x38;
	[tilespmem:$0x1C000] =	vst v63  }
0x100: {  	_ =	swait.ge [sflag:s8], $0x8000  }
0x101: {  	[sflag:s8] =	ssyncset.done $0x0  }
0x102: {  	[sflag:s8] =	ssyncadd.s32 $0xFFFF8000  }
0x103: {  	[tilespmem:s12], [sflag:$0x2] =	stream.linear.gather [hbm4b:s24+s2], $0x8000, $0x38;
	[tilespmem:$0x1C000] =	vst v63  }
0x104: {  	_ =	swait.ge [sflag:s16], $0x8000  }
0x105: {  	[sflag:s16] =	ssyncset.done $0x0  }
0x106: {  	[sflag:s16] =	ssyncadd.s32 $0xFFFF8000  }
0x107: {  	[hbm4b:s23+s2] =	stream.linear.scatter [tilespmem:s10], [sflag:$0x6], $0x8000, $0x38;
	[tilespmem:$0x1C000] =	vst v63  }
0x108: {  	_ =	swait.ge [sflag:s9], $0x8000  }
0x109: {  	[sflag:s9] =	ssyncset.done $0x0  }
0x10a: {  	[sflag:s9] =	ssyncadd.s32 $0xFFFF8000  }
0x10b: {  	[tilespmem:s10], [sflag:$0x3] =	stream.linear.gather [hbm4b:s22+s2], $0x8000, $0x38;
	[tilespmem:$0x1C000] =	vst v63  }
0x10c: {  	_ =	swait.ge [sflag:s7], $0x8000  }
0x10d: {  	[sflag:s7] =	ssyncset.done $0x0  }
0x10e: {  	[sflag:s7] =	ssyncadd.s32 $0xFFFF8000  }
0x10f: {  	[hbm4b:s21+s2] =	stream.linear.scatter [tilespmem:s2], [sflag:$0x4], $0x8000, $0x38;
	[tilespmem:$0x1C000] =	vst v63  }
0x110: {  	_ =	swait.ge [sflag:s3], $0x8000  }
0x111: {  	[sflag:s3] =	ssyncset.done $0x0  }
0x112: {  	[sflag:s3] =	ssyncadd.s32 $0xFFFF8000  }
0x113: {  	[tilespmem:s2], [sflag:$0x1] =	stream.linear.gather [hbm4b:s20+s2], $0x8000, $0x38;
	[tilespmem:$0x1C000] =	vst v63  }
0x114: {  	_ =	swait.ge [sflag:s15], $0x8000  }
0x115: {  	[sflag:s15] =	ssyncset.done $0x0  }
0x116: {  	[sflag:s15] =	ssyncadd.s32 $0xFFFF8000  }
0x117: {  	[hbm4b:s19+s2] =	stream.linear.scatter [tilespmem:s12], [sflag:$0x5], $0x8000, $0x38;
	[tilespmem:$0x1C000] =	vst v63  }
0x118: {  	_ =	swait.ge [sflag:s8], $0x8000  }
0x119: {  	[sflag:s8] =	ssyncset.done $0x0  }
0x11a: {  	[sflag:s8] =	ssyncadd.s32 $0xFFFF8000  }
0x11b: {  	[tilespmem:s12], [sflag:$0x2] =	stream.linear.gather [hbm4b:s18+s2], $0x8000, $0x38;
	[tilespmem:$0x1C000] =	vst v63  }
0x11c: {  	_ =	swait.ge [sflag:s16], $0x8000  }
0x11d: {  	[sflag:s16] =	ssyncset.done $0x0  }
0x11e: {  	[sflag:s16] =	ssyncadd.s32 $0xFFFF8000  }
0x11f: {  	[hbm4b:s17+s2] =	stream.linear.scatter [tilespmem:s10], [sflag:$0x6], $0x8000, $0x38;
	[tilespmem:$0x1C000] =	vst v63  }
0x120: {  	_ =	swait.ge [sflag:s9], $0x8000  }
0x121: {  	[sflag:s9] =	ssyncset.done $0x0  }
0x122: {  	[sflag:s9] =	ssyncadd.s32 $0xFFFF8000  }
0x123: {  	[tilespmem:s10], [sflag:$0x3] =	stream.linear.gather [hbm4b:s14+s2], $0x8000, $0x38;
	[tilespmem:$0x1C000] =	vst v63  }
0x124: {  	_ =	swait.ge [sflag:s7], $0x8000  }
0x125: {  	[sflag:s7] =	ssyncset.done $0x0  }
0x126: {  	[sflag:s7] =	ssyncadd.s32 $0xFFFF8000  }
0x127: {  	[hbm4b:s13+s2] =	stream.linear.scatter [tilespmem:s2], [sflag:$0x4], $0x8000, $0x38;
	[tilespmem:$0x1C000] =	vst v63  }
0x128: {  	_ =	swait.ge [sflag:s3], $0x8000  }
0x129: {  	[sflag:s3] =	ssyncset.done $0x0  }
0x12a: {  	[sflag:s3] =	ssyncadd.s32 $0xFFFF8000  }
0x12b: {  	[tilespmem:s2], [sflag:$0x1] =	stream.linear.gather [hbm4b:s11+s2], $0x8000, $0x38;
	[tilespmem:$0x1C000] =	vst v63  }
0x12c: {  	_ =	swait.ge [sflag:s15], $0x8000  }
0x12d: {  	[sflag:s15] =	ssyncset.done $0x0  }
0x12e: {  	[sflag:s15] =	ssyncadd.s32 $0xFFFF8000  }
0x12f: {  	[hbm4b:s6+s2] =	stream.linear.scatter [tilespmem:s12], [sflag:$0x5], $0x8000, $0x38;
	[tilespmem:$0x1C000] =	vst v63  }
0x130: {  	_ =	swait.ge [sflag:s16], $0x8000  }
0x131: {  	[sflag:s16] =	ssyncset.done $0x0  }
0x132: {  	[sflag:s16] =	ssyncadd.s32 $0xFFFF8000  }
0x133: {  	[hbm4b:s5+s2] =	stream.linear.scatter [tilespmem:s10], [sflag:$0x6], $0x8000, $0x38;
	[tilespmem:$0x1C000] =	vst v63  }
0x134: {  	_ =	swait.ge [sflag:s7], $0x8000  }
0x135: {  	[sflag:s7] =	ssyncset.done $0x0  }
0x136: {  	[sflag:s7] =	ssyncadd.s32 $0xFFFF8000  }
0x137: {  	[hbm4b:s4+s2] =	stream.linear.scatter [tilespmem:s2], [sflag:$0x4], $0x8000, $0x38;
	[tilespmem:$0x1C000] =	vst v63  }
0x138: {  	_ =	swait.ge [sflag:s8], $0x8000  }
0x139: {  	[sflag:s8] =	ssyncset.done $0x0  }
0x13a: {  	[sflag:s8] =	ssyncadd.s32 $0xFFFF8000  }
0x13b: {  	_ =	swait.ge [sflag:s9], $0x8000  }
0x13c: {  	s0 =	sadd.s32 $0xFFFFFFFF, s0;
	[sflag:s9] =	ssyncset.done $0x0  }
0x13d: {  	p2 =	sne.s32 s0, $0x0;
	[sflag:s9] =	ssyncadd.s32 $0xFFFF8000  }
.Ltmp2:
0x13e: {  	_ =	swait.ge [sflag:s3], $0x8000;
	(pc) =	sbr.rel @p2 .LBB2_3-.Ltmp2, $4  }
0x13f: {  	[sflag:s3] =	ssyncset.done $0x0  }
0x140: {  	[sflag:s3] =	ssyncadd.s32 $0xFFFF8000  }
0x141: {  	_ =	swait.ge @!p0 [sflag:s28], $0x4000  }
0x142: {  	[sflag:s28] =	ssyncset.done @!p0 $0x0  }
0x143: {  	s29 =	rddreg [dreg:$0x3];
	s30 =	stileid.u32  }
.LBB2_5:
0x144: {  	p1 =	por p0, !p1;
	s0 =	simm.s32 @p0 $0x0  }
0x145: {  	s1 =	rddreg [dreg:$0x4];
	[sflag:s28] =	ssyncadd.s32 @!p1 $0xFFFFC000;
	s28 =	simm.s32 @!p0 $0x18000  }
0x146: {  	[tilespmem:s0], [sflag:$0x1] =	stream.linear.gather @p0 [hbm4b:s31+s0], $0x8000, $0x38;
	[tilespmem:$0x1C000] =	vst v63  }
0x147: {  	s0 =	smov.u32 s31;
	s31 =	smov.u32 s4;
	s4 =	simm.s32 @!p0 $0x0  }
0x148: {  	[tilespmem:s28], [sflag:$0x7] =	stream.linear.gather @!p0 [hbm4b:s1+s4], $0x4000, $0x38;
	[tilespmem:$0x1C000] =	vst v63  }
0x149: {  	_ = 	snop  }
0x14a: {  	[tilespmem:s4], [sflag:$0x1] =	stream.linear.gather @!p0 [hbm4b:s0+s4], $0x8000, $0x38;
	[tilespmem:$0x1C000] =	vst v63  }
0x14b: {  	s0 =	simm.s32 @!p0 $0x7  }
0x14c: {  	_ =	swait.ge @!p0 [sflag:s0], $0x4000  }
0x14d: {  	[sflag:s0] =	ssyncset.done @!p0 $0x0  }
0x14e: {  	s1 =	rddreg [dreg:$0x5];
	[sflag:s0] =	ssyncadd.s32 @!p0 $0xFFFFC000  }
0x14f: {  	[hbm4b:s1+s4] =	stream.linear.scatter @!p0 [tilespmem:s28], [sflag:$0x7], $0x4000, $0x38;
	[tilespmem:$0x1C000] =	vst v63  }
0x150: {  	s26 =	rddreg [dreg:$0x6]  }
0x151: {  	[tilespmem:s12], [sflag:$0x2] =	stream.linear.gather [hbm4b:s26+s2], $0x8000, $0x38;
	[tilespmem:$0x1C000] =	vst v63  }
0x152: {  	s4 =	rddreg [dreg:$0x7]  }
0x153: {  	[tilespmem:s10], [sflag:$0x3] =	stream.linear.gather [hbm4b:s4+s2], $0x8000, $0x38;
	[tilespmem:$0x1C000] =	vst v63  }
0x154: {  	_ =	swait.ge [sflag:s7], $0x8000  }
0x155: {  	[sflag:s7] =	ssyncset.done $0x0  }
0x156: {  	s26 =	rddreg [dreg:$0x8];
	[sflag:s7] =	ssyncadd.s32 $0xFFFF8000  }
0x157: {  	[hbm4b:s26+s2] =	stream.linear.scatter [tilespmem:s2], [sflag:$0x4], $0x8000, $0x38;
	[tilespmem:$0x1C000] =	vst v63  }
0x158: {  	_ =	swait.ge [sflag:s3], $0x8000  }
0x159: {  	[sflag:s3] =	ssyncset.done $0x0  }
0x15a: {  	s28 =	rddreg [dreg:$0x9];
	[sflag:s3] =	ssyncadd.s32 $0xFFFF8000  }
0x15b: {  	[tilespmem:s2], [sflag:$0x1] =	stream.linear.gather [hbm4b:s28+s2], $0x8000, $0x38;
	[tilespmem:$0x1C000] =	vst v63  }
0x15c: {  	_ =	swait.ge [sflag:s15], $0x8000  }
0x15d: {  	[sflag:s15] =	ssyncset.done $0x0  }
0x15e: {  	s4 =	rddreg [dreg:$0xa];
	[sflag:s15] =	ssyncadd.s32 $0xFFFF8000  }
0x15f: {  	[hbm4b:s4+s2] =	stream.linear.scatter [tilespmem:s12], [sflag:$0x5], $0x8000, $0x38;
	[tilespmem:$0x1C000] =	vst v63  }
0x160: {  	_ =	swait.ge [sflag:s8], $0x8000  }
0x161: {  	[sflag:s8] =	ssyncset.done $0x0  }
0x162: {  	s26 =	rddreg [dreg:$0xb];
	[sflag:s8] =	ssyncadd.s32 $0xFFFF8000  }
0x163: {  	[tilespmem:s12], [sflag:$0x2] =	stream.linear.gather [hbm4b:s26+s2], $0x8000, $0x38;
	[tilespmem:$0x1C000] =	vst v63  }
0x164: {  	_ =	swait.ge [sflag:s16], $0x8000  }
0x165: {  	[sflag:s16] =	ssyncset.done $0x0  }
0x166: {  	s28 =	rddreg [dreg:$0xc];
	[sflag:s16] =	ssyncadd.s32 $0xFFFF8000  }
0x167: {  	[hbm4b:s28+s2] =	stream.linear.scatter [tilespmem:s10], [sflag:$0x6], $0x8000, $0x38;
	[tilespmem:$0x1C000] =	vst v63  }
0x168: {  	_ =	swait.ge [sflag:s9], $0x8000  }
0x169: {  	[sflag:s9] =	ssyncset.done $0x0  }
0x16a: {  	s4 =	rddreg [dreg:$0xd];
	[sflag:s9] =	ssyncadd.s32 $0xFFFF8000  }
0x16b: {  	[tilespmem:s10], [sflag:$0x3] =	stream.linear.gather [hbm4b:s4+s2], $0x8000, $0x38;
	[tilespmem:$0x1C000] =	vst v63  }
0x16c: {  	_ =	swait.ge [sflag:s7], $0x8000  }
0x16d: {  	[sflag:s7] =	ssyncset.done $0x0  }
0x16e: {  	s26 =	rddreg [dreg:$0xe];
	[sflag:s7] =	ssyncadd.s32 $0xFFFF8000  }
0x16f: {  	[hbm4b:s26+s2] =	stream.linear.scatter [tilespmem:s2], [sflag:$0x4], $0x8000, $0x38;
	[tilespmem:$0x1C000] =	vst v63  }
0x170: {  	_ =	swait.ge [sflag:s3], $0x8000  }
0x171: {  	[sflag:s3] =	ssyncset.done $0x0  }
0x172: {  	s28 =	rddreg [dreg:$0xf];
	[sflag:s3] =	ssyncadd.s32 $0xFFFF8000  }
0x173: {  	[tilespmem:s2], [sflag:$0x1] =	stream.linear.gather [hbm4b:s28+s2], $0x8000, $0x38;
	[tilespmem:$0x1C000] =	vst v63  }
0x174: {  	_ =	swait.ge [sflag:s15], $0x8000  }
0x175: {  	[sflag:s15] =	ssyncset.done $0x0  }
0x176: {  	s4 =	rddreg [dreg:$0x10];
	[sflag:s15] =	ssyncadd.s32 $0xFFFF8000  }
0x177: {  	[hbm4b:s4+s2] =	stream.linear.scatter [tilespmem:s12], [sflag:$0x5], $0x8000, $0x38;
	[tilespmem:$0x1C000] =	vst v63  }
0x178: {  	_ =	swait.ge [sflag:s8], $0x8000  }
0x179: {  	[sflag:s8] =	ssyncset.done $0x0  }
0x17a: {  	s26 =	rddreg [dreg:$0x11];
	[sflag:s8] =	ssyncadd.s32 $0xFFFF8000  }
0x17b: {  	[tilespmem:s12], [sflag:$0x2] =	stream.linear.gather [hbm4b:s26+s2], $0x8000, $0x38;
	[tilespmem:$0x1C000] =	vst v63  }
0x17c: {  	_ =	swait.ge [sflag:s16], $0x8000  }
0x17d: {  	[sflag:s16] =	ssyncset.done $0x0  }
0x17e: {  	s28 =	rddreg [dreg:$0x12];
	[sflag:s16] =	ssyncadd.s32 $0xFFFF8000  }
0x17f: {  	[hbm4b:s28+s2] =	stream.linear.scatter [tilespmem:s10], [sflag:$0x6], $0x8000, $0x38;
	[tilespmem:$0x1C000] =	vst v63  }
0x180: {  	_ =	swait.ge [sflag:s9], $0x8000  }
0x181: {  	[sflag:s9] =	ssyncset.done $0x0  }
0x182: {  	s4 =	rddreg [dreg:$0x13];
	[sflag:s9] =	ssyncadd.s32 $0xFFFF8000  }
0x183: {  	[tilespmem:s10], [sflag:$0x3] =	stream.linear.gather [hbm4b:s4+s2], $0x8000, $0x38;
	[tilespmem:$0x1C000] =	vst v63  }
0x184: {  	_ =	swait.ge [sflag:s7], $0x8000  }
0x185: {  	[sflag:s7] =	ssyncset.done $0x0  }
0x186: {  	s26 =	rddreg [dreg:$0x14];
	[sflag:s7] =	ssyncadd.s32 $0xFFFF8000  }
0x187: {  	[hbm4b:s26+s2] =	stream.linear.scatter [tilespmem:s2], [sflag:$0x4], $0x8000, $0x38;
	[tilespmem:$0x1C000] =	vst v63  }
0x188: {  	_ =	swait.ge [sflag:s3], $0x8000  }
0x189: {  	[sflag:s3] =	ssyncset.done $0x0  }
0x18a: {  	s28 =	rddreg [dreg:$0x15];
	[sflag:s3] =	ssyncadd.s32 $0xFFFF8000  }
0x18b: {  	[tilespmem:s2], [sflag:$0x1] =	stream.linear.gather [hbm4b:s28+s2], $0x8000, $0x38;
	[tilespmem:$0x1C000] =	vst v63  }
0x18c: {  	_ =	swait.ge [sflag:s15], $0x8000  }
0x18d: {  	[sflag:s15] =	ssyncset.done $0x0  }
0x18e: {  	[sflag:s15] =	ssyncadd.s32 $0xFFFF8000  }
0x18f: {  	[hbm4b:s25+s2] =	stream.linear.scatter [tilespmem:s12], [sflag:$0x5], $0x8000, $0x38;
	[tilespmem:$0x1C000] =	vst v63  }
0x190: {  	_ =	swait.ge [sflag:s8], $0x8000  }
0x191: {  	[sflag:s8] =	ssyncset.done $0x0  }
0x192: {  	[sflag:s8] =	ssyncadd.s32 $0xFFFF8000  }
0x193: {  	[tilespmem:s12], [sflag:$0x2] =	stream.linear.gather [hbm4b:s24+s2], $0x8000, $0x38;
	[tilespmem:$0x1C000] =	vst v63  }
0x194: {  	_ =	swait.ge [sflag:s16], $0x8000  }
0x195: {  	[sflag:s16] =	ssyncset.done $0x0  }
0x196: {  	[sflag:s16] =	ssyncadd.s32 $0xFFFF8000  }
0x197: {  	[hbm4b:s23+s2] =	stream.linear.scatter [tilespmem:s10], [sflag:$0x6], $0x8000, $0x38;
	[tilespmem:$0x1C000] =	vst v63  }
0x198: {  	_ =	swait.ge [sflag:s9], $0x8000  }
0x199: {  	[sflag:s9] =	ssyncset.done $0x0  }
0x19a: {  	[sflag:s9] =	ssyncadd.s32 $0xFFFF8000  }
0x19b: {  	[tilespmem:s10], [sflag:$0x3] =	stream.linear.gather [hbm4b:s22+s2], $0x8000, $0x38;
	[tilespmem:$0x1C000] =	vst v63  }
0x19c: {  	_ =	swait.ge [sflag:s7], $0x8000  }
0x19d: {  	[sflag:s7] =	ssyncset.done $0x0  }
0x19e: {  	[sflag:s7] =	ssyncadd.s32 $0xFFFF8000  }
0x19f: {  	[hbm4b:s21+s2] =	stream.linear.scatter [tilespmem:s2], [sflag:$0x4], $0x8000, $0x38;
	[tilespmem:$0x1C000] =	vst v63  }
0x1a0: {  	_ =	swait.ge [sflag:s3], $0x8000  }
0x1a1: {  	[sflag:s3] =	ssyncset.done $0x0  }
0x1a2: {  	[sflag:s3] =	ssyncadd.s32 $0xFFFF8000  }
0x1a3: {  	[tilespmem:s2], [sflag:$0x1] =	stream.linear.gather [hbm4b:s20+s2], $0x8000, $0x38;
	[tilespmem:$0x1C000] =	vst v63  }
0x1a4: {  	_ =	swait.ge [sflag:s15], $0x8000  }
0x1a5: {  	[sflag:s15] =	ssyncset.done $0x0  }
0x1a6: {  	[sflag:s15] =	ssyncadd.s32 $0xFFFF8000  }
0x1a7: {  	[hbm4b:s19+s2] =	stream.linear.scatter [tilespmem:s12], [sflag:$0x5], $0x8000, $0x38;
	[tilespmem:$0x1C000] =	vst v63  }
0x1a8: {  	_ =	swait.ge [sflag:s8], $0x8000  }
0x1a9: {  	[sflag:s8] =	ssyncset.done $0x0  }
0x1aa: {  	[sflag:s8] =	ssyncadd.s32 $0xFFFF8000  }
0x1ab: {  	[tilespmem:s12], [sflag:$0x2] =	stream.linear.gather [hbm4b:s18+s2], $0x8000, $0x38;
	[tilespmem:$0x1C000] =	vst v63  }
0x1ac: {  	_ =	swait.ge [sflag:s16], $0x8000  }
0x1ad: {  	[sflag:s16] =	ssyncset.done $0x0  }
0x1ae: {  	[sflag:s16] =	ssyncadd.s32 $0xFFFF8000  }
0x1af: {  	[hbm4b:s17+s2] =	stream.linear.scatter [tilespmem:s10], [sflag:$0x6], $0x8000, $0x38;
	[tilespmem:$0x1C000] =	vst v63  }
0x1b0: {  	_ =	swait.ge [sflag:s9], $0x8000  }
0x1b1: {  	[sflag:s9] =	ssyncset.done $0x0  }
0x1b2: {  	[sflag:s9] =	ssyncadd.s32 $0xFFFF8000  }
0x1b3: {  	[tilespmem:s10], [sflag:$0x3] =	stream.linear.gather [hbm4b:s14+s2], $0x8000, $0x38;
	[tilespmem:$0x1C000] =	vst v63  }
0x1b4: {  	_ =	swait.ge [sflag:s7], $0x8000  }
0x1b5: {  	[sflag:s7] =	ssyncset.done $0x0  }
0x1b6: {  	[sflag:s7] =	ssyncadd.s32 $0xFFFF8000  }
0x1b7: {  	[hbm4b:s13+s2] =	stream.linear.scatter [tilespmem:s2], [sflag:$0x4], $0x8000, $0x38;
	[tilespmem:$0x1C000] =	vst v63  }
0x1b8: {  	_ =	swait.ge [sflag:s3], $0x8000  }
0x1b9: {  	[sflag:s3] =	ssyncset.done $0x0  }
0x1ba: {  	[sflag:s3] =	ssyncadd.s32 $0xFFFF8000  }
0x1bb: {  	[tilespmem:s2], [sflag:$0x1] =	stream.linear.gather [hbm4b:s11+s2], $0x8000, $0x38;
	[tilespmem:$0x1C000] =	vst v63  }
0x1bc: {  	_ =	swait.ge [sflag:s15], $0x8000  }
0x1bd: {  	[sflag:s15] =	ssyncset.done $0x0  }
0x1be: {  	[sflag:s15] =	ssyncadd.s32 $0xFFFF8000  }
0x1bf: {  	[hbm4b:s6+s2] =	stream.linear.scatter [tilespmem:s12], [sflag:$0x5], $0x8000, $0x38;
	[tilespmem:$0x1C000] =	vst v63  }
0x1c0: {  	_ =	swait.ge [sflag:s16], $0x8000  }
0x1c1: {  	[sflag:s16] =	ssyncset.done $0x0  }
0x1c2: {  	[sflag:s16] =	ssyncadd.s32 $0xFFFF8000  }
0x1c3: {  	[hbm4b:s5+s2] =	stream.linear.scatter [tilespmem:s10], [sflag:$0x6], $0x8000, $0x38;
	[tilespmem:$0x1C000] =	vst v63  }
0x1c4: {  	_ =	swait.ge [sflag:s7], $0x8000  }
0x1c5: {  	[sflag:s7] =	ssyncset.done $0x0  }
0x1c6: {  	[sflag:s7] =	ssyncadd.s32 $0xFFFF8000  }
0x1c7: {  	[hbm4b:s31+s2] =	stream.linear.scatter [tilespmem:s2], [sflag:$0x4], $0x8000, $0x38;
	[tilespmem:$0x1C000] =	vst v63  }
0x1c8: {  	_ =	swait.ge [sflag:s8], $0x8000  }
0x1c9: {  	[sflag:s8] =	ssyncset.done $0x0  }
0x1ca: {  	[sflag:s8] =	ssyncadd.s32 $0xFFFF8000  }
0x1cb: {  	_ =	swait.ge [sflag:s9], $0x8000  }
0x1cc: {  	[sflag:s9] =	ssyncset.done $0x0  }
0x1cd: {  	[sflag:s9] =	ssyncadd.s32 $0xFFFF8000  }
0x1ce: {  	_ =	swait.ge [sflag:s3], $0x8000  }
0x1cf: {  	[sflag:s3] =	ssyncset.done $0x0  }
0x1d0: {  	[sflag:s3] =	ssyncadd.s32 $0xFFFF8000  }
0x1d1: {  	_ =	swait.ge @!p0 [sflag:s0], $0x4000  }
0x1d2: {  	[sflag:s0] =	ssyncset.done @!p0 $0x0  }
0x1d3: {  	[sflag:s0] =	ssyncadd.s32 @!p0 $0xFFFFC000  }
0x1d4: {  	_ =	sfence.sel $0x180000  }
0x1d5: {  	[bflag:$0x0] =	sbarrier.arrive $0xFFFF  }
0x1d6: {  	p0 =	sne.s32 s30, $0x0;
	_ =	strace $0x90000047  }
0x1d7: {  	s0 =	sadd.s32 @!p0 $0x100000, s29;
	[bflag:$0x2] =	sbarrier.arrive $0xFFFF  }
0x1d8: {  	[sflag:s0] =	ssyncadd.tile.s32 @!p0 $0x1;
	_ =	shalt  }
.LBB2_2:
.Ltmp3:
0x1d9: {  	(pc) =	sbr.rel .LBB2_5-.Ltmp3, $2  }
0x1da: {  	_ =	sdelay $0x2  }
0x1db: {  	s29 =	rddreg [dreg:$0x3];
	s30 =	stileid.u32  }
.Lfunc_end2:
_tile_overlayer_lowered:
.L_overlay_start_2:
0x1dc: {  	(tag) =	ssettag $0x2  }
0x1dd: {  	s0 =	rddreg [dreg:$0x0];
	s2 =	stileid.u32  }
0x1de: {  	s1 =	rddreg [dreg:$0x1];
	p0 =	sne.s32 s2, $0x0  }
0x1df: {  	s3 =	rddreg [dreg:$0x2];
	[bflag:$0x3] =	sbarrier.arrive $0xFFFF;
	s2 =	simm.s32 @!p0 $0x1C08  }
0x1e0: {  	[timem:s3], [sflag:s2] =	dma.local @!p0 [hbm:s0], s1  }
0x1e1: {  	s0 =	simm.s32 @!p0 $0x8  }
0x1e2: {  	_ =	swait.ge @!p0 [sflag:s0], s1  }
0x1e3: {  	s1 =	ssub.s32 @!p0 $0x0, s1;
	[sflag:s0] =	ssyncset.done @!p0 $0x0  }
0x1e4: {  	[sflag:s0] =	ssyncadd.s32 @!p0 s1  }
0x1e5: {  	[bflag:$0x3] =	sbarrier.arrive $0xFFFF  }
0x1e6: {  	_ =	shalt  }

</sc_bundles>
